<compile_context>
chip_gen: v7x
topology: tpu7x:2x2x1
jax: 0.10.2.dev20260603
libtpu: 0.0.44.dev20260713+nightly
codegen_flags: <defaults>
</compile_context>

<pallas_src>
import functools

import jax
import jax.numpy as jnp
from jax import lax
from jax.experimental import pallas as pl
from jax.experimental.pallas import tpu as pltpu
from jax.experimental.pallas import tpu_sc as plsc

H = 8
C = 16
NPAD = 10240
ROWS_PER_TILE = NPAD // 16
CH = 128
PAIRS = CH // 2


def _node_prepass(x_ref, wsrc_t_ref, u_ref, xs_ref, t_ref):
    xb = x_ref[...]
    xs_ref[...] = jnp.dot(xb, wsrc_t_ref[...], preferred_element_type=jnp.float32)
    t_ref[...] = jnp.dot(xb, u_ref[...], preferred_element_type=jnp.float32)


def _edge_prepass(ea_ref, etf_ref, v_ref, ta_ref, fe_ref):
    oh = (etf_ref[...] ==
          lax.broadcasted_iota(jnp.int32, (1, 7), 1).astype(jnp.float32))
    fe_ref[...] = (
        jnp.dot(ea_ref[...], v_ref[...], preferred_element_type=jnp.float32)
        + jnp.dot(oh.astype(jnp.float32), ta_ref[...],
                  preferred_element_type=jnp.float32))


def _final_dense(p_ref, esx_ref, x_ref, wout_t_ref, bb_ref, g_ref, b_ref,
                 y_ref):
    o = (p_ref[0] + p_ref[1]) / esx_ref[...]
    o = jnp.dot(o, wout_t_ref[...], preferred_element_type=jnp.float32)
    o = o + bb_ref[...]
    mu = jnp.mean(o, axis=-1, keepdims=True)
    d = o - mu
    var = jnp.mean(d * d, axis=-1, keepdims=True)
    o = d / jnp.sqrt(var + 1e-5) * g_ref[...] + b_ref[...]
    y_ref[...] = o + x_ref[...]


def _bcast(v, k):
    idx = jnp.full((16, 1), k, jnp.int32)
    dn = lax.GatherDimensionNumbers(offset_dims=(), collapsed_slice_dims=(0,),
                                    start_index_map=(0,))
    return lax.gather(v, idx, dn, (1,),
                      mode=lax.GatherScatterMode.PROMISE_IN_BOUNDS)


def _sc_body(nct, src_h, dst_h, t_h, fe_h, xs_h, outp_h, eso_h,
             s1, d1, dca, dcb, tda, tdb, tsa, tsb, fea, feb, exa, exb,
             xra, xrb, out_sh, es_sh,
             mta, mtb, msa, msb, mfa, mfb, mxa, mxb, mea, meb, moa, mob):
    sc = lax.axis_index("c")
    tid = lax.axis_index("s")
    lane = lax.iota(jnp.int32, 16)
    hlane = jnp.bitwise_and(lane, 7)
    half = lax.shift_right_logical(lane, 3)
    zero16 = jnp.zeros((16,), jnp.float32)
    hi_mask = jnp.full((16,), 0xFFFF0000, jnp.uint32)
    base = (sc * 16 + tid) * nct

    def z_xr(r, _):
        for c8 in range(8):
            xra[r, pl.ds(c8 * 16, 16)] = zero16
        return 0
    lax.fori_loop(0, CH, z_xr, 0)

    def z_ex(p, _):
        plsc.store_scatter(exa, [2 * p + half, hlane], zero16)
        return 0
    lax.fori_loop(0, PAIRS, z_ex, 0)

    for j in range(ROWS_PER_TILE // CH):
        r0 = tid * ROWS_PER_TILE + j * CH
        pltpu.sync_copy(xra, out_sh.at[pl.ds(r0, CH)])
        pltpu.sync_copy(exa, es_sh.at[pl.ds(r0, CH)])
    plsc.subcore_barrier()

    def pairs_ex(td, ts, fe, ex):
        def pair(p, _):
            row = 2 * p + half
            wd = plsc.bitcast(plsc.load_gather(td, [row, hlane]), jnp.uint32)
            ws = plsc.bitcast(plsc.load_gather(ts, [row, hlane]), jnp.uint32)
            ai = plsc.bitcast(lax.shift_left(wd, jnp.uint32(16)), jnp.float32)
            aj = plsc.bitcast(jnp.bitwise_and(ws, hi_mask), jnp.float32)
            fev = fe[pl.ds(p * 16, 16)]
            lg = ai + aj + fev
            lg = jnp.maximum(lg, 0.2 * lg)
            exv = jnp.exp(lg)
            plsc.store_scatter(ex, [row, hlane], exv)
            return 0
        lax.fori_loop(0, PAIRS, pair, 0)

    def scale(xr, ex):
        def pair(p, _):
            row = 2 * p + half
            exv = plsc.load_gather(ex, [row, hlane])
            for e in range(2):
                for h in range(H):
                    s = pl.ds(h * 16, 16)
                    r = 2 * p + e
                    xr[r, s] = xr[r, s] * _bcast(exv, e * 8 + h)
            return 0
        lax.fori_loop(0, PAIRS, pair, 0)

    def body(i, _):
        e0 = (base + 2 * i) * CH
        pltpu.sync_copy(src_h.at[pl.ds(e0, 2 * CH)], s1)
        pltpu.sync_copy(dst_h.at[pl.ds(e0, 2 * CH)], d1)
        for q in range(CH // 16):
            dca[pl.ds(q * 16, 16)] = d1[pl.ds(q * 16, 16)]
            dcb[pl.ds(q * 16, 16)] = d1[pl.ds(CH + q * 16, 16)]
        sa = s1.at[pl.ds(0, CH)]
        sb = s1.at[pl.ds(CH, CH)]
        gxa = pltpu.async_copy(xs_h.at[sa], xra, mxa)
        gxb = pltpu.async_copy(xs_h.at[sb], xrb, mxb)
        gta = pltpu.async_copy(t_h.at[dca], tda, mta)
        gsa = pltpu.async_copy(t_h.at[sa], tsa, msa)
        gfa = pltpu.async_copy(fe_h.at[pl.ds(e0 * 8, CH * 8)], fea, mfa)
        gtb = pltpu.async_copy(t_h.at[dcb], tdb, mtb)
        gsb = pltpu.async_copy(t_h.at[sb], tsb, msb)
        gfb = pltpu.async_copy(fe_h.at[pl.ds((e0 + CH) * 8, CH * 8)], feb, mfb)
        gta.wait(); gsa.wait(); gfa.wait()
        pairs_ex(tda, tsa, fea, exa)
        sea = pltpu.async_copy(exa, es_sh.at[dca], mea, add=True)
        gxa.wait()
        scale(xra, exa)
        soa = pltpu.async_copy(xra, out_sh.at[dca], moa, add=True)
        gtb.wait(); gsb.wait(); gfb.wait()
        pairs_ex(tdb, tsb, feb, exb)
        seb = pltpu.async_copy(exb, es_sh.at[dcb], meb, add=True)
        gxb.wait()
        scale(xrb, exb)
        sob = pltpu.async_copy(xrb, out_sh.at[dcb], mob, add=True)
        sea.wait(); soa.wait(); seb.wait(); sob.wait()
        return 0
    lax.fori_loop(0, nct // 2, body, 0)

    plsc.subcore_barrier()
    r0 = tid * ROWS_PER_TILE
    pltpu.sync_copy(out_sh.at[pl.ds(r0, ROWS_PER_TILE)],
                    outp_h.at[sc, pl.ds(r0, ROWS_PER_TILE)])
    pltpu.sync_copy(es_sh.at[pl.ds(r0, ROWS_PER_TILE)],
                    eso_h.at[sc, pl.ds(r0, ROWS_PER_TILE)])


def kernel(x, edge_index, edge_attr, edge_types, W_src, W_dst, att_src,
           att_dst, W_edge, att_edge, edge_type_table, W_out, b_out, bias,
           ln_g, ln_b):
    n, d = x.shape
    e = edge_index.shape[1]
    nt = edge_type_table.shape[0]
    ed = edge_attr.shape[1]
    etot = e + n
    ep = ((etot + 64 * CH - 1) // (64 * CH)) * (64 * CH)
    nct = ep // (32 * CH)

    u_dst = jnp.einsum('hcd,hc->dh', W_dst.reshape(H, C, d), att_src[0])
    u_src = jnp.einsum('hcd,hc->dh', W_src.reshape(H, C, d), att_dst[0])
    u = jnp.concatenate([u_dst, u_src], axis=1)
    v = jnp.einsum('hce,hc->eh', W_edge.reshape(H, C, ed), att_edge[0])
    ta_vec = jnp.einsum('thc,hc->th', edge_type_table.reshape(nt, H, C),
                        att_edge[0])

    xp = jnp.concatenate([x, jnp.zeros((NPAD - n, d), jnp.float32)])

    nb = NPAD // 256
    xs_p, t_p = pl.pallas_call(
        _node_prepass,
        grid=(nb,),
        in_specs=[pl.BlockSpec((256, d), lambda i: (i, 0)),
                  pl.BlockSpec((d, d), lambda i: (0, 0)),
                  pl.BlockSpec((d, 16), lambda i: (0, 0))],
        out_specs=[pl.BlockSpec((256, d), lambda i: (i, 0)),
                   pl.BlockSpec((256, 16), lambda i: (i, 0))],
        out_shape=[jax.ShapeDtypeStruct((NPAD, d), jnp.float32),
                   jax.ShapeDtypeStruct((NPAD, 16), jnp.float32)],
    )(xp, W_src.T, u)

    ai16 = lax.bitcast_convert_type(t_p[:, :8].astype(jnp.bfloat16),
                                    jnp.uint16).astype(jnp.uint32)
    aj16 = lax.bitcast_convert_type(t_p[:, 8:].astype(jnp.bfloat16),
                                    jnp.uint16).astype(jnp.uint32)
    t32 = lax.bitcast_convert_type(ai16 | (aj16 << 16), jnp.float32)

    eb = 2000
    fe_real = pl.pallas_call(
        _edge_prepass,
        grid=(e // eb,),
        in_specs=[pl.BlockSpec((eb, ed), lambda i: (i, 0)),
                  pl.BlockSpec((eb, 1), lambda i: (i, 0)),
                  pl.BlockSpec((ed, H), lambda i: (0, 0)),
                  pl.BlockSpec((nt, H), lambda i: (0, 0))],
        out_specs=pl.BlockSpec((eb, H), lambda i: (i, 0)),
        out_shape=jax.ShapeDtypeStruct((e, H), jnp.float32),
    )(edge_attr, edge_types.astype(jnp.float32).reshape(e, 1), v, ta_vec)

    loop_idx = jnp.arange(n, dtype=jnp.int32)
    pad_i = jnp.full((ep - etot,), n, jnp.int32)
    src_full = jnp.concatenate([edge_index[0].astype(jnp.int32), loop_idx, pad_i])
    dst_full = jnp.concatenate([edge_index[1].astype(jnp.int32), loop_idx, pad_i])
    fe_loop = v.sum(0) + ta_vec[nt - 1]
    fe_full = jnp.concatenate([
        fe_real.reshape(-1),
        jnp.broadcast_to(fe_loop, (n, H)).reshape(-1),
        jnp.zeros(((ep - etot) * H,), jnp.float32)])

    mesh = plsc.VectorSubcoreMesh(core_axis_name="c", subcore_axis_name="s")
    outp, eso = pl.kernel(
        functools.partial(_sc_body, nct),
        out_type=[jax.ShapeDtypeStruct((2, NPAD, d), jnp.float32),
                  jax.ShapeDtypeStruct((2, NPAD, H), jnp.float32)],
        mesh=mesh,
        compiler_params=pltpu.CompilerParams(needs_layout_passes=False,
                                             use_tc_tiling_on_sc=False),
        scratch_types=[
            pltpu.VMEM((2 * CH,), jnp.int32),
            pltpu.VMEM((2 * CH,), jnp.int32),
            pltpu.VMEM((CH,), jnp.int32),
            pltpu.VMEM((CH,), jnp.int32),
            pltpu.VMEM((CH, 8), jnp.float32),
            pltpu.VMEM((CH, 8), jnp.float32),
            pltpu.VMEM((CH, 8), jnp.float32),
            pltpu.VMEM((CH, 8), jnp.float32),
            pltpu.VMEM((CH * 8,), jnp.float32),
            pltpu.VMEM((CH * 8,), jnp.float32),
            pltpu.VMEM((CH, 8), jnp.float32),
            pltpu.VMEM((CH, 8), jnp.float32),
            pltpu.VMEM((CH, 128), jnp.float32),
            pltpu.VMEM((CH, 128), jnp.float32),
            pltpu.VMEM_SHARED((NPAD, 128), jnp.float32),
            pltpu.VMEM_SHARED((NPAD, 8), jnp.float32),
        ] + [pltpu.SemaphoreType.DMA] * 12,
    )(src_full, dst_full, t32, fe_full, xs_p)

    esx = jnp.repeat(eso[0] + eso[1], C, axis=1) + 1e-16
    y = pl.pallas_call(
        _final_dense,
        grid=(nb,),
        in_specs=[pl.BlockSpec((2, 256, d), lambda i: (0, i, 0)),
                  pl.BlockSpec((256, d), lambda i: (i, 0)),
                  pl.BlockSpec((256, d), lambda i: (i, 0)),
                  pl.BlockSpec((d, d), lambda i: (0, 0)),
                  pl.BlockSpec((1, d), lambda i: (0, 0)),
                  pl.BlockSpec((1, d), lambda i: (0, 0)),
                  pl.BlockSpec((1, d), lambda i: (0, 0))],
        out_specs=pl.BlockSpec((256, d), lambda i: (i, 0)),
        out_shape=jax.ShapeDtypeStruct((NPAD, d), jnp.float32),
    )(outp, esx, xp, W_out.T, (b_out + bias).reshape(1, d),
      ln_g.reshape(1, d), ln_b.reshape(1, d))
    return y[:n]

# --- scband reference (transcript-rebuilt; emitter-appended) ---
"""Pipeline reference for scband-multi-scale-gnnblock-17506286698855 (READ-ONLY COPY).

The authoritative reference and input builder live on the scoring server;
editing this copy changes nothing except your own understanding.
"""

import jax, jax.numpy as jnp
import numpy as np

N = 10000
E = 320000
D = 128
H = 8
C = 16
ED = 16
NT = 7

def setup_inputs(seed: int = 0):
    key = jax.random.key(seed)
    ks = jax.random.split(key, 20)
    s = 0.05
    x = jax.random.normal(ks[0], (N, D), jnp.float32)
    src = jax.random.randint(ks[1], (E,), 0, N)
    dst = jax.random.randint(ks[2], (E,), 0, N)
    edge_index = jnp.stack([src, dst], axis=0)
    edge_attr = jax.random.normal(ks[3], (E, ED), jnp.float32)
    edge_types = jax.random.randint(ks[4], (E,), 0, NT - 1)
    W_src = jax.random.normal(ks[5], (H * C, D), jnp.float32) * s
    W_dst = jax.random.normal(ks[6], (H * C, D), jnp.float32) * s
    att_src = jax.random.normal(ks[7], (1, H, C), jnp.float32) * s
    att_dst = jax.random.normal(ks[8], (1, H, C), jnp.float32) * s
    W_edge = jax.random.normal(ks[9], (H * C, ED), jnp.float32) * s
    att_edge = jax.random.normal(ks[10], (1, H, C), jnp.float32) * s
    edge_type_table = jax.random.normal(ks[11], (NT, H * C), jnp.float32) * s
    W_out = jax.random.normal(ks[12], (H * C, H * C), jnp.float32) * s
    b_out = jnp.zeros((H * C,), jnp.float32)
    bias = jnp.zeros((H * C,), jnp.float32)
    ln_g = jnp.ones((H * C,), jnp.float32)
    ln_b = jnp.zeros((H * C,), jnp.float32)
    return {"x": x, "edge_index": edge_index, "edge_attr": edge_attr, "edge_types": edge_types,
            "W_src": W_src, "W_dst": W_dst, "att_src": att_src, "att_dst": att_dst,
            "W_edge": W_edge, "att_edge": att_edge, "edge_type_table": edge_type_table,
            "W_out": W_out, "b_out": b_out, "bias": bias, "ln_g": ln_g, "ln_b": ln_b}

def reference(x, edge_index, edge_attr, edge_types, W_src, W_dst, att_src, att_dst,
              W_edge, att_edge, edge_type_table, W_out, b_out, bias, ln_g, ln_b):
    n = x.shape[0]
    Hh, Cc = att_src.shape[1], att_src.shape[2]
    num_edge_types = edge_type_table.shape[0]
    # add self loops (PyG default fill_value=1.0 for edge_attr)
    loop = jnp.arange(n, dtype=edge_index.dtype)
    ei = jnp.concatenate([edge_index, jnp.stack([loop, loop], axis=0)], axis=1)
    ea = jnp.concatenate([edge_attr, jnp.ones((n, edge_attr.shape[1]), edge_attr.dtype)], axis=0)
    et = jnp.concatenate([edge_types, jnp.full((n,), num_edge_types - 1, edge_types.dtype)], axis=0)
    x_src = (x @ W_src.T).reshape(-1, Hh, Cc)
    x_dst = (x @ W_dst.T).reshape(-1, Hh, Cc)
    s_idx, d_idx = ei[0], ei[1]
    x_j = x_src[s_idx]            # messages flow from source
    x_i = x_dst[d_idx]
    alpha = (x_i * att_src).sum(-1) + (x_j * att_dst).sum(-1)   # [Etot, H]
    ef = (ea @ W_edge.T).reshape(-1, Hh, Cc)
    alpha = alpha + (ef * att_edge).sum(-1)
    etf = edge_type_table[et].reshape(-1, Hh, Cc)
    alpha = alpha + (etf * att_edge).sum(-1)
    alpha = jax.nn.leaky_relu(alpha, negative_slope=0.2)
    # segment softmax over destination nodes (per head)
    amax = jax.ops.segment_max(alpha, d_idx, num_segments=n)
    amax = jax.lax.stop_gradient(jnp.where(jnp.isfinite(amax), amax, 0.0))
    ex = jnp.exp(alpha - amax[d_idx])
    esum = jax.ops.segment_sum(ex, d_idx, num_segments=n)
    alpha = ex / (esum[d_idx] + 1e-16)
    # dropout is identity in eval mode
    msg = x_j * alpha[..., None]
    out = jax.ops.segment_sum(msg, d_idx, num_segments=n)   # [N, H, C]
    out = out.reshape(n, Hh * Cc) @ W_out.T + b_out
    out = out + bias
    mu = out.mean(-1, keepdims=True)
    var = out.var(-1, keepdims=True)
    out = (out - mu) / jnp.sqrt(var + 1e-5) * ln_g + ln_b
    # residual: in_channels == heads*out_channels
    out = out + x
    return out

if __name__ == "__main__":
    import jax
    _d = setup_inputs()
    print(jax.jit(kernel)(*tuple(_d.values())))

</pallas_src>

<mosaic_0001>
#map = affine_map<(d0, d1) -> (0)>
#map1 = affine_map<(d0, d1) -> (0, 0)>
#map2 = affine_map<(d0, d1) -> (0, 0, 0)>
module attributes {stable_mosaic.version = 14 : i64} {
  func.func @_sc_body(%arg0: i32, %arg1: i32, %arg2: memref<335872xi32, #tpu.memory_space<hbm>>, %arg3: memref<335872xi32, #tpu.memory_space<hbm>>, %arg4: memref<10240x8xf32, #tpu.memory_space<hbm>>, %arg5: memref<2686976xf32, #tpu.memory_space<hbm>>, %arg6: memref<10240x128xf32, #tpu.memory_space<hbm>>, %arg7: memref<2x10240x128xf32, #tpu.memory_space<hbm>>, %arg8: memref<2x10240x8xf32, #tpu.memory_space<hbm>>, %arg9: memref<256xi32, #tpu.memory_space<vmem>>, %arg10: memref<256xi32, #tpu.memory_space<vmem>>, %arg11: memref<128xi32, #tpu.memory_space<vmem>>, %arg12: memref<128xi32, #tpu.memory_space<vmem>>, %arg13: memref<128x8xf32, #tpu.memory_space<vmem>>, %arg14: memref<128x8xf32, #tpu.memory_space<vmem>>, %arg15: memref<128x8xf32, #tpu.memory_space<vmem>>, %arg16: memref<128x8xf32, #tpu.memory_space<vmem>>, %arg17: memref<1024xf32, #tpu.memory_space<vmem>>, %arg18: memref<1024xf32, #tpu.memory_space<vmem>>, %arg19: memref<128x8xf32, #tpu.memory_space<vmem>>, %arg20: memref<128x8xf32, #tpu.memory_space<vmem>>, %arg21: memref<128x128xf32, #tpu.memory_space<vmem>>, %arg22: memref<128x128xf32, #tpu.memory_space<vmem>>, %arg23: memref<10240x128xf32, #tpu.memory_space<vmem_shared>>, %arg24: memref<10240x8xf32, #tpu.memory_space<vmem_shared>>, %arg25: memref<!tpu.dma_semaphore, #tpu.memory_space<semaphore_mem>>, %arg26: memref<!tpu.dma_semaphore, #tpu.memory_space<semaphore_mem>>, %arg27: memref<!tpu.dma_semaphore, #tpu.memory_space<semaphore_mem>>, %arg28: memref<!tpu.dma_semaphore, #tpu.memory_space<semaphore_mem>>, %arg29: memref<!tpu.dma_semaphore, #tpu.memory_space<semaphore_mem>>, %arg30: memref<!tpu.dma_semaphore, #tpu.memory_space<semaphore_mem>>, %arg31: memref<!tpu.dma_semaphore, #tpu.memory_space<semaphore_mem>>, %arg32: memref<!tpu.dma_semaphore, #tpu.memory_space<semaphore_mem>>, %arg33: memref<!tpu.dma_semaphore, #tpu.memory_space<semaphore_mem>>, %arg34: memref<!tpu.dma_semaphore, #tpu.memory_space<semaphore_mem>>, %arg35: memref<!tpu.dma_semaphore, #tpu.memory_space<semaphore_mem>>, %arg36: memref<!tpu.dma_semaphore, #tpu.memory_space<semaphore_mem>>) attributes {dimension_semantics = [#tpu.dimension_semantics<core_parallel>, #tpu.dimension_semantics<subcore_parallel>], iteration_bounds = array<i64: 2, 16>, scalar_prefetch = 0 : i64, scratch_operands = 28 : i64, tpu.core_type = #tpu.core_type<sc_vector_subcore>, window_params = [{transform_indices = #map}, {transform_indices = #map}, {transform_indices = #map1}, {transform_indices = #map}, {transform_indices = #map1}, {transform_indices = #map2}, {transform_indices = #map2}]} {
    %iota3A = tpu.iota {dimensions = array<i32: 0>} : vector<16xi32>
    %and3A = arith.constant 7 : i32
    %and3A_0 = vector.broadcast %and3A : i32 to vector<16xi32>
    %and3A_1 = arith.andi %iota3A, %and3A_0 : vector<16xi32>
    %shift_right_logical3A = arith.constant 3 : i32
    %shift_right_logical3A_2 = vector.broadcast %shift_right_logical3A : i32 to vector<16xi32>
    %shift_right_logical3A_3 = arith.shrui %iota3A, %shift_right_logical3A_2 : vector<16xi32>
    %broadcast_in_dim3A = arith.constant 0.000000e+00 : f32
    %broadcast_in_dim3A_4 = vector.broadcast %broadcast_in_dim3A : f32 to vector<16xf32>
    %broadcast_in_dim3A_5 = arith.constant -65536 : i32
    %broadcast_in_dim3A_6 = vector.broadcast %broadcast_in_dim3A_5 : i32 to vector<16xi32>
    %mul3A = arith.constant 16 : i32
    %mul3A_7 = arith.muli %arg0, %mul3A : i32
    %add3A = arith.addi %mul3A_7, %arg1 : i32
    %mul3A_8 = arith.constant 82 : i32
    %mul3A_9 = arith.muli %add3A, %mul3A_8 : i32
    %scan3A = arith.constant 0 : i32
    %scan3A_10 = arith.constant 0 : i32
    %scan3A_11 = arith.constant 128 : i32
    %scan3A_12 = arith.addi %scan3A_10, %scan3A_11 : i32
    %scan3A_13 = arith.constant 1 : i32
    %scan3A_14 = scf.for %scan3A_53 = %scan3A_10 to %scan3A_12 step %scan3A_13 iter_args(%scan3A_54 = %scan3A) -> (i32)  : i32 {
      %swap3A = arith.index_cast %scan3A_53 : i32 to index
      %swap3A_55 = arith.constant 0 : index
      %swap3A_56 = tpu.vector_load %arg21[%swap3A, %swap3A_55] {strides = array<i32>} : memref<128x128xf32, #tpu.memory_space<vmem>>, vector<16xf32>,
      tpu.vector_store %arg21[%swap3A, %swap3A_55], %broadcast_in_dim3A_4 {strides = array<i32>} : memref<128x128xf32, #tpu.memory_space<vmem>>, vector<16xf32>,
      %swap3A_57 = arith.index_cast %scan3A_53 : i32 to index
      %swap3A_58 = arith.constant 16 : index
      %swap3A_59 = tpu.vector_load %arg21[%swap3A_57, %swap3A_58] {strides = array<i32>} : memref<128x128xf32, #tpu.memory_space<vmem>>, vector<16xf32>,
      tpu.vector_store %arg21[%swap3A_57, %swap3A_58], %broadcast_in_dim3A_4 {strides = array<i32>} : memref<128x128xf32, #tpu.memory_space<vmem>>, vector<16xf32>,
      %swap3A_60 = arith.index_cast %scan3A_53 : i32 to index
      %swap3A_61 = arith.constant 32 : index
      %swap3A_62 = tpu.vector_load %arg21[%swap3A_60, %swap3A_61] {strides = array<i32>} : memref<128x128xf32, #tpu.memory_space<vmem>>, vector<16xf32>,
      tpu.vector_store %arg21[%swap3A_60, %swap3A_61], %broadcast_in_dim3A_4 {strides = array<i32>} : memref<128x128xf32, #tpu.memory_space<vmem>>, vector<16xf32>,
      %swap3A_63 = arith.index_cast %scan3A_53 : i32 to index
      %swap3A_64 = arith.constant 48 : index
      %swap3A_65 = tpu.vector_load %arg21[%swap3A_63, %swap3A_64] {strides = array<i32>} : memref<128x128xf32, #tpu.memory_space<vmem>>, vector<16xf32>,
      tpu.vector_store %arg21[%swap3A_63, %swap3A_64], %broadcast_in_dim3A_4 {strides = array<i32>} : memref<128x128xf32, #tpu.memory_space<vmem>>, vector<16xf32>,
      %swap3A_66 = arith.index_cast %scan3A_53 : i32 to index
      %swap3A_67 = arith.constant 64 : index
      %swap3A_68 = tpu.vector_load %arg21[%swap3A_66, %swap3A_67] {strides = array<i32>} : memref<128x128xf32, #tpu.memory_space<vmem>>, vector<16xf32>,
      tpu.vector_store %arg21[%swap3A_66, %swap3A_67], %broadcast_in_dim3A_4 {strides = array<i32>} : memref<128x128xf32, #tpu.memory_space<vmem>>, vector<16xf32>,
      %swap3A_69 = arith.index_cast %scan3A_53 : i32 to index
      %swap3A_70 = arith.constant 80 : index
      %swap3A_71 = tpu.vector_load %arg21[%swap3A_69, %swap3A_70] {strides = array<i32>} : memref<128x128xf32, #tpu.memory_space<vmem>>, vector<16xf32>,
      tpu.vector_store %arg21[%swap3A_69, %swap3A_70], %broadcast_in_dim3A_4 {strides = array<i32>} : memref<128x128xf32, #tpu.memory_space<vmem>>, vector<16xf32>,
      %swap3A_72 = arith.index_cast %scan3A_53 : i32 to index
      %swap3A_73 = arith.constant 96 : index
      %swap3A_74 = tpu.vector_load %arg21[%swap3A_72, %swap3A_73] {strides = array<i32>} : memref<128x128xf32, #tpu.memory_space<vmem>>, vector<16xf32>,
      tpu.vector_store %arg21[%swap3A_72, %swap3A_73], %broadcast_in_dim3A_4 {strides = array<i32>} : memref<128x128xf32, #tpu.memory_space<vmem>>, vector<16xf32>,
      %swap3A_75 = arith.index_cast %scan3A_53 : i32 to index
      %swap3A_76 = arith.constant 112 : index
      %swap3A_77 = tpu.vector_load %arg21[%swap3A_75, %swap3A_76] {strides = array<i32>} : memref<128x128xf32, #tpu.memory_space<vmem>>, vector<16xf32>,
      tpu.vector_store %arg21[%swap3A_75, %swap3A_76], %broadcast_in_dim3A_4 {strides = array<i32>} : memref<128x128xf32, #tpu.memory_space<vmem>>, vector<16xf32>,
      %scan3A_78 = arith.constant 0 : i32
      scf.yield %scan3A_78 : i32
    }
    %scan3A_15 = arith.constant 128 : i32
    %scan3A_16 = arith.constant 0 : i32
    %scan3A_17 = arith.constant 0 : i32
    %scan3A_18 = arith.constant 64 : i32
    %scan3A_19 = arith.addi %scan3A_17, %scan3A_18 : i32
    %scan3A_20 = arith.constant 1 : i32
    %scan3A_21 = scf.for %scan3A_53 = %scan3A_17 to %scan3A_19 step %scan3A_20 iter_args(%scan3A_54 = %scan3A_16) -> (i32)  : i32 {
      %mul3A_55 = arith.constant 2 : i32
      %mul3A_56 = arith.muli %mul3A_55, %scan3A_53 : i32
      %add3A_57 = vector.broadcast %mul3A_56 : i32 to vector<16xi32>
      %add3A_58 = arith.addi %add3A_57, %shift_right_logical3A_3 : vector<16xi32>
      tpu.vector_store_idx %arg19[%add3A_58, %and3A_1], %broadcast_in_dim3A_4 : memref<128x8xf32, #tpu.memory_space<vmem>>[vector<16xi32>, vector<16xi32>], vector<16xf32>,
      %scan3A_59 = arith.constant 0 : i32
      scf.yield %scan3A_59 : i32
    }
    %scan3A_22 = arith.constant 64 : i32
    %mul3A_23 = arith.constant 640 : i32
    %mul3A_24 = arith.muli %arg1, %mul3A_23 : i32
    %add3A_25 = arith.constant 0 : i32
    %add3A_26 = arith.addi %mul3A_24, %add3A_25 : i32
    "tpu.region"() ({
      %run_scoped3A = tpu.sem_alloc : memref<!tpu.dma_semaphore, #tpu.memory_space<semaphore_mem>>
      %dma_start3A = arith.constant 0 : i32
      %dma_start3A_53 = tpu.memref_slice %arg23[%add3A_26, %dma_start3A] : memref<10240x128xf32, #tpu.memory_space<vmem_shared>> -> memref<128x128xf32, #tpu.memory_space<vmem_shared>>
      %dma_start3A_54 = arith.constant 0 : i32
      %dma_start3A_55 = tpu.memref_slice %arg23[%add3A_26, %dma_start3A_54] : memref<10240x128xf32, #tpu.memory_space<vmem_shared>> -> memref<128x128xf32, #tpu.memory_space<vmem_shared>>
      tpu.enqueue_dma source(%arg21 : memref<128x128xf32, #tpu.memory_space<vmem>>) target(%dma_start3A_55 : memref<128x128xf32, #tpu.memory_space<vmem_shared>>) target_semaphore(%run_scoped3A : memref<!tpu.dma_semaphore, #tpu.memory_space<semaphore_mem>>)
      %dma_wait3A = arith.constant 0 : i32
      %dma_wait3A_56 = tpu.memref_slice %arg23[%add3A_26, %dma_wait3A] : memref<10240x128xf32, #tpu.memory_space<vmem_shared>> -> memref<128x128xf32, #tpu.memory_space<vmem_shared>>
      %dma_wait3A_57 = arith.constant 0 : i32
      %dma_wait3A_58 = tpu.memref_slice %arg23[%add3A_26, %dma_wait3A_57] : memref<10240x128xf32, #tpu.memory_space<vmem_shared>> -> memref<128x128xf32, #tpu.memory_space<vmem_shared>>
      tpu.wait_dma2 semaphore(%run_scoped3A : memref<!tpu.dma_semaphore, #tpu.memory_space<semaphore_mem>>) src(%arg21 : memref<128x128xf32, #tpu.memory_space<vmem>>) dst(%dma_wait3A_58 : memref<128x128xf32, #tpu.memory_space<vmem_shared>>)
      tpu.yield
    }) : () -> ()
    "tpu.region"() ({
      %run_scoped3A = tpu.sem_alloc : memref<!tpu.dma_semaphore, #tpu.memory_space<semaphore_mem>>
      %dma_start3A = arith.constant 0 : i32
      %dma_start3A_53 = tpu.memref_slice %arg24[%add3A_26, %dma_start3A] : memref<10240x8xf32, #tpu.memory_space<vmem_shared>> -> memref<128x8xf32, #tpu.memory_space<vmem_shared>>
      %dma_start3A_54 = arith.constant 0 : i32
      %dma_start3A_55 = tpu.memref_slice %arg24[%add3A_26, %dma_start3A_54] : memref<10240x8xf32, #tpu.memory_space<vmem_shared>> -> memref<128x8xf32, #tpu.memory_space<vmem_shared>>
      tpu.enqueue_dma source(%arg19 : memref<128x8xf32, #tpu.memory_space<vmem>>) target(%dma_start3A_55 : memref<128x8xf32, #tpu.memory_space<vmem_shared>>) target_semaphore(%run_scoped3A : memref<!tpu.dma_semaphore, #tpu.memory_space<semaphore_mem>>)
      %dma_wait3A = arith.constant 0 : i32
      %dma_wait3A_56 = tpu.memref_slice %arg24[%add3A_26, %dma_wait3A] : memref<10240x8xf32, #tpu.memory_space<vmem_shared>> -> memref<128x8xf32, #tpu.memory_space<vmem_shared>>
      %dma_wait3A_57 = arith.constant 0 : i32
      %dma_wait3A_58 = tpu.memref_slice %arg24[%add3A_26, %dma_wait3A_57] : memref<10240x8xf32, #tpu.memory_space<vmem_shared>> -> memref<128x8xf32, #tpu.memory_space<vmem_shared>>
      tpu.wait_dma2 semaphore(%run_scoped3A : memref<!tpu.dma_semaphore, #tpu.memory_space<semaphore_mem>>) src(%arg19 : memref<128x8xf32, #tpu.memory_space<vmem>>) dst(%dma_wait3A_58 : memref<128x8xf32, #tpu.memory_space<vmem_shared>>)
      tpu.yield
    }) : () -> ()
    %mul3A_27 = arith.constant 640 : i32
    %mul3A_28 = arith.muli %arg1, %mul3A_27 : i32
    %add3A_29 = arith.constant 128 : i32
    %add3A_30 = arith.addi %mul3A_28, %add3A_29 : i32
    "tpu.region"() ({
      %run_scoped3A = tpu.sem_alloc : memref<!tpu.dma_semaphore, #tpu.memory_space<semaphore_mem>>
      %dma_start3A = arith.constant 0 : i32
      %dma_start3A_53 = tpu.memref_slice %arg23[%add3A_30, %dma_start3A] : memref<10240x128xf32, #tpu.memory_space<vmem_shared>> -> memref<128x128xf32, #tpu.memory_space<vmem_shared>>
      %dma_start3A_54 = arith.constant 0 : i32
      %dma_start3A_55 = tpu.memref_slice %arg23[%add3A_30, %dma_start3A_54] : memref<10240x128xf32, #tpu.memory_space<vmem_shared>> -> memref<128x128xf32, #tpu.memory_space<vmem_shared>>
      tpu.enqueue_dma source(%arg21 : memref<128x128xf32, #tpu.memory_space<vmem>>) target(%dma_start3A_55 : memref<128x128xf32, #tpu.memory_space<vmem_shared>>) target_semaphore(%run_scoped3A : memref<!tpu.dma_semaphore, #tpu.memory_space<semaphore_mem>>)
      %dma_wait3A = arith.constant 0 : i32
      %dma_wait3A_56 = tpu.memref_slice %arg23[%add3A_30, %dma_wait3A] : memref<10240x128xf32, #tpu.memory_space<vmem_shared>> -> memref<128x128xf32, #tpu.memory_space<vmem_shared>>
      %dma_wait3A_57 = arith.constant 0 : i32
      %dma_wait3A_58 = tpu.memref_slice %arg23[%add3A_30, %dma_wait3A_57] : memref<10240x128xf32, #tpu.memory_space<vmem_shared>> -> memref<128x128xf32, #tpu.memory_space<vmem_shared>>
      tpu.wait_dma2 semaphore(%run_scoped3A : memref<!tpu.dma_semaphore, #tpu.memory_space<semaphore_mem>>) src(%arg21 : memref<128x128xf32, #tpu.memory_space<vmem>>) dst(%dma_wait3A_58 : memref<128x128xf32, #tpu.memory_space<vmem_shared>>)
      tpu.yield
    }) : () -> ()
    "tpu.region"() ({
      %run_scoped3A = tpu.sem_alloc : memref<!tpu.dma_semaphore, #tpu.memory_space<semaphore_mem>>
      %dma_start3A = arith.constant 0 : i32
      %dma_start3A_53 = tpu.memref_slice %arg24[%add3A_30, %dma_start3A] : memref<10240x8xf32, #tpu.memory_space<vmem_shared>> -> memref<128x8xf32, #tpu.memory_space<vmem_shared>>
      %dma_start3A_54 = arith.constant 0 : i32
      %dma_start3A_55 = tpu.memref_slice %arg24[%add3A_30, %dma_start3A_54] : memref<10240x8xf32, #tpu.memory_space<vmem_shared>> -> memref<128x8xf32, #tpu.memory_space<vmem_shared>>
      tpu.enqueue_dma source(%arg19 : memref<128x8xf32, #tpu.memory_space<vmem>>) target(%dma_start3A_55 : memref<128x8xf32, #tpu.memory_space<vmem_shared>>) target_semaphore(%run_scoped3A : memref<!tpu.dma_semaphore, #tpu.memory_space<semaphore_mem>>)
      %dma_wait3A = arith.constant 0 : i32
      %dma_wait3A_56 = tpu.memref_slice %arg24[%add3A_30, %dma_wait3A] : memref<10240x8xf32, #tpu.memory_space<vmem_shared>> -> memref<128x8xf32, #tpu.memory_space<vmem_shared>>
      %dma_wait3A_57 = arith.constant 0 : i32
      %dma_wait3A_58 = tpu.memref_slice %arg24[%add3A_30, %dma_wait3A_57] : memref<10240x8xf32, #tpu.memory_space<vmem_shared>> -> memref<128x8xf32, #tpu.memory_space<vmem_shared>>
      tpu.wait_dma2 semaphore(%run_scoped3A : memref<!tpu.dma_semaphore, #tpu.memory_space<semaphore_mem>>) src(%arg19 : memref<128x8xf32, #tpu.memory_space<vmem>>) dst(%dma_wait3A_58 : memref<128x8xf32, #tpu.memory_space<vmem_shared>>)
      tpu.yield
    }) : () -> ()
    %mul3A_31 = arith.constant 640 : i32
    %mul3A_32 = arith.muli %arg1, %mul3A_31 : i32
    %add3A_33 = arith.constant 256 : i32
    %add3A_34 = arith.addi %mul3A_32, %add3A_33 : i32
    "tpu.region"() ({
      %run_scoped3A = tpu.sem_alloc : memref<!tpu.dma_semaphore, #tpu.memory_space<semaphore_mem>>
      %dma_start3A = arith.constant 0 : i32
      %dma_start3A_53 = tpu.memref_slice %arg23[%add3A_34, %dma_start3A] : memref<10240x128xf32, #tpu.memory_space<vmem_shared>> -> memref<128x128xf32, #tpu.memory_space<vmem_shared>>
      %dma_start3A_54 = arith.constant 0 : i32
      %dma_start3A_55 = tpu.memref_slice %arg23[%add3A_34, %dma_start3A_54] : memref<10240x128xf32, #tpu.memory_space<vmem_shared>> -> memref<128x128xf32, #tpu.memory_space<vmem_shared>>
      tpu.enqueue_dma source(%arg21 : memref<128x128xf32, #tpu.memory_space<vmem>>) target(%dma_start3A_55 : memref<128x128xf32, #tpu.memory_space<vmem_shared>>) target_semaphore(%run_scoped3A : memref<!tpu.dma_semaphore, #tpu.memory_space<semaphore_mem>>)
      %dma_wait3A = arith.constant 0 : i32
      %dma_wait3A_56 = tpu.memref_slice %arg23[%add3A_34, %dma_wait3A] : memref<10240x128xf32, #tpu.memory_space<vmem_shared>> -> memref<128x128xf32, #tpu.memory_space<vmem_shared>>
      %dma_wait3A_57 = arith.constant 0 : i32
      %dma_wait3A_58 = tpu.memref_slice %arg23[%add3A_34, %dma_wait3A_57] : memref<10240x128xf32, #tpu.memory_space<vmem_shared>> -> memref<128x128xf32, #tpu.memory_space<vmem_shared>>
      tpu.wait_dma2 semaphore(%run_scoped3A : memref<!tpu.dma_semaphore, #tpu.memory_space<semaphore_mem>>) src(%arg21 : memref<128x128xf32, #tpu.memory_space<vmem>>) dst(%dma_wait3A_58 : memref<128x128xf32, #tpu.memory_space<vmem_shared>>)
      tpu.yield
    }) : () -> ()
    "tpu.region"() ({
      %run_scoped3A = tpu.sem_alloc : memref<!tpu.dma_semaphore, #tpu.memory_space<semaphore_mem>>
      %dma_start3A = arith.constant 0 : i32
      %dma_start3A_53 = tpu.memref_slice %arg24[%add3A_34, %dma_start3A] : memref<10240x8xf32, #tpu.memory_space<vmem_shared>> -> memref<128x8xf32, #tpu.memory_space<vmem_shared>>
      %dma_start3A_54 = arith.constant 0 : i32
      %dma_start3A_55 = tpu.memref_slice %arg24[%add3A_34, %dma_start3A_54] : memref<10240x8xf32, #tpu.memory_space<vmem_shared>> -> memref<128x8xf32, #tpu.memory_space<vmem_shared>>
      tpu.enqueue_dma source(%arg19 : memref<128x8xf32, #tpu.memory_space<vmem>>) target(%dma_start3A_55 : memref<128x8xf32, #tpu.memory_space<vmem_shared>>) target_semaphore(%run_scoped3A : memref<!tpu.dma_semaphore, #tpu.memory_space<semaphore_mem>>)
      %dma_wait3A = arith.constant 0 : i32
      %dma_wait3A_56 = tpu.memref_slice %arg24[%add3A_34, %dma_wait3A] : memref<10240x8xf32, #tpu.memory_space<vmem_shared>> -> memref<128x8xf32, #tpu.memory_space<vmem_shared>>
      %dma_wait3A_57 = arith.constant 0 : i32
      %dma_wait3A_58 = tpu.memref_slice %arg24[%add3A_34, %dma_wait3A_57] : memref<10240x8xf32, #tpu.memory_space<vmem_shared>> -> memref<128x8xf32, #tpu.memory_space<vmem_shared>>
      tpu.wait_dma2 semaphore(%run_scoped3A : memref<!tpu.dma_semaphore, #tpu.memory_space<semaphore_mem>>) src(%arg19 : memref<128x8xf32, #tpu.memory_space<vmem>>) dst(%dma_wait3A_58 : memref<128x8xf32, #tpu.memory_space<vmem_shared>>)
      tpu.yield
    }) : () -> ()
    %mul3A_35 = arith.constant 640 : i32
    %mul3A_36 = arith.muli %arg1, %mul3A_35 : i32
    %add3A_37 = arith.constant 384 : i32
    %add3A_38 = arith.addi %mul3A_36, %add3A_37 : i32
    "tpu.region"() ({
      %run_scoped3A = tpu.sem_alloc : memref<!tpu.dma_semaphore, #tpu.memory_space<semaphore_mem>>
      %dma_start3A = arith.constant 0 : i32
      %dma_start3A_53 = tpu.memref_slice %arg23[%add3A_38, %dma_start3A] : memref<10240x128xf32, #tpu.memory_space<vmem_shared>> -> memref<128x128xf32, #tpu.memory_space<vmem_shared>>
      %dma_start3A_54 = arith.constant 0 : i32
      %dma_start3A_55 = tpu.memref_slice %arg23[%add3A_38, %dma_start3A_54] : memref<10240x128xf32, #tpu.memory_space<vmem_shared>> -> memref<128x128xf32, #tpu.memory_space<vmem_shared>>
      tpu.enqueue_dma source(%arg21 : memref<128x128xf32, #tpu.memory_space<vmem>>) target(%dma_start3A_55 : memref<128x128xf32, #tpu.memory_space<vmem_shared>>) target_semaphore(%run_scoped3A : memref<!tpu.dma_semaphore, #tpu.memory_space<semaphore_mem>>)
      %dma_wait3A = arith.constant 0 : i32
      %dma_wait3A_56 = tpu.memref_slice %arg23[%add3A_38, %dma_wait3A] : memref<10240x128xf32, #tpu.memory_space<vmem_shared>> -> memref<128x128xf32, #tpu.memory_space<vmem_shared>>
      %dma_wait3A_57 = arith.constant 0 : i32
      %dma_wait3A_58 = tpu.memref_slice %arg23[%add3A_38, %dma_wait3A_57] : memref<10240x128xf32, #tpu.memory_space<vmem_shared>> -> memref<128x128xf32, #tpu.memory_space<vmem_shared>>
      tpu.wait_dma2 semaphore(%run_scoped3A : memref<!tpu.dma_semaphore, #tpu.memory_space<semaphore_mem>>) src(%arg21 : memref<128x128xf32, #tpu.memory_space<vmem>>) dst(%dma_wait3A_58 : memref<128x128xf32, #tpu.memory_space<vmem_shared>>)
      tpu.yield
    }) : () -> ()
    "tpu.region"() ({
      %run_scoped3A = tpu.sem_alloc : memref<!tpu.dma_semaphore, #tpu.memory_space<semaphore_mem>>
      %dma_start3A = arith.constant 0 : i32
      %dma_start3A_53 = tpu.memref_slice %arg24[%add3A_38, %dma_start3A] : memref<10240x8xf32, #tpu.memory_space<vmem_shared>> -> memref<128x8xf32, #tpu.memory_space<vmem_shared>>
      %dma_start3A_54 = arith.constant 0 : i32
      %dma_start3A_55 = tpu.memref_slice %arg24[%add3A_38, %dma_start3A_54] : memref<10240x8xf32, #tpu.memory_space<vmem_shared>> -> memref<128x8xf32, #tpu.memory_space<vmem_shared>>
      tpu.enqueue_dma source(%arg19 : memref<128x8xf32, #tpu.memory_space<vmem>>) target(%dma_start3A_55 : memref<128x8xf32, #tpu.memory_space<vmem_shared>>) target_semaphore(%run_scoped3A : memref<!tpu.dma_semaphore, #tpu.memory_space<semaphore_mem>>)
      %dma_wait3A = arith.constant 0 : i32
      %dma_wait3A_56 = tpu.memref_slice %arg24[%add3A_38, %dma_wait3A] : memref<10240x8xf32, #tpu.memory_space<vmem_shared>> -> memref<128x8xf32, #tpu.memory_space<vmem_shared>>
      %dma_wait3A_57 = arith.constant 0 : i32
      %dma_wait3A_58 = tpu.memref_slice %arg24[%add3A_38, %dma_wait3A_57] : memref<10240x8xf32, #tpu.memory_space<vmem_shared>> -> memref<128x8xf32, #tpu.memory_space<vmem_shared>>
      tpu.wait_dma2 semaphore(%run_scoped3A : memref<!tpu.dma_semaphore, #tpu.memory_space<semaphore_mem>>) src(%arg19 : memref<128x8xf32, #tpu.memory_space<vmem>>) dst(%dma_wait3A_58 : memref<128x8xf32, #tpu.memory_space<vmem_shared>>)
      tpu.yield
    }) : () -> ()
    %mul3A_39 = arith.constant 640 : i32
    %mul3A_40 = arith.muli %arg1, %mul3A_39 : i32
    %add3A_41 = arith.constant 512 : i32
    %add3A_42 = arith.addi %mul3A_40, %add3A_41 : i32
    "tpu.region"() ({
      %run_scoped3A = tpu.sem_alloc : memref<!tpu.dma_semaphore, #tpu.memory_space<semaphore_mem>>
      %dma_start3A = arith.constant 0 : i32
      %dma_start3A_53 = tpu.memref_slice %arg23[%add3A_42, %dma_start3A] : memref<10240x128xf32, #tpu.memory_space<vmem_shared>> -> memref<128x128xf32, #tpu.memory_space<vmem_shared>>
      %dma_start3A_54 = arith.constant 0 : i32
      %dma_start3A_55 = tpu.memref_slice %arg23[%add3A_42, %dma_start3A_54] : memref<10240x128xf32, #tpu.memory_space<vmem_shared>> -> memref<128x128xf32, #tpu.memory_space<vmem_shared>>
      tpu.enqueue_dma source(%arg21 : memref<128x128xf32, #tpu.memory_space<vmem>>) target(%dma_start3A_55 : memref<128x128xf32, #tpu.memory_space<vmem_shared>>) target_semaphore(%run_scoped3A : memref<!tpu.dma_semaphore, #tpu.memory_space<semaphore_mem>>)
      %dma_wait3A = arith.constant 0 : i32
      %dma_wait3A_56 = tpu.memref_slice %arg23[%add3A_42, %dma_wait3A] : memref<10240x128xf32, #tpu.memory_space<vmem_shared>> -> memref<128x128xf32, #tpu.memory_space<vmem_shared>>
      %dma_wait3A_57 = arith.constant 0 : i32
      %dma_wait3A_58 = tpu.memref_slice %arg23[%add3A_42, %dma_wait3A_57] : memref<10240x128xf32, #tpu.memory_space<vmem_shared>> -> memref<128x128xf32, #tpu.memory_space<vmem_shared>>
      tpu.wait_dma2 semaphore(%run_scoped3A : memref<!tpu.dma_semaphore, #tpu.memory_space<semaphore_mem>>) src(%arg21 : memref<128x128xf32, #tpu.memory_space<vmem>>) dst(%dma_wait3A_58 : memref<128x128xf32, #tpu.memory_space<vmem_shared>>)
      tpu.yield
    }) : () -> ()
    "tpu.region"() ({
      %run_scoped3A = tpu.sem_alloc : memref<!tpu.dma_semaphore, #tpu.memory_space<semaphore_mem>>
      %dma_start3A = arith.constant 0 : i32
      %dma_start3A_53 = tpu.memref_slice %arg24[%add3A_42, %dma_start3A] : memref<10240x8xf32, #tpu.memory_space<vmem_shared>> -> memref<128x8xf32, #tpu.memory_space<vmem_shared>>
      %dma_start3A_54 = arith.constant 0 : i32
      %dma_start3A_55 = tpu.memref_slice %arg24[%add3A_42, %dma_start3A_54] : memref<10240x8xf32, #tpu.memory_space<vmem_shared>> -> memref<128x8xf32, #tpu.memory_space<vmem_shared>>
      tpu.enqueue_dma source(%arg19 : memref<128x8xf32, #tpu.memory_space<vmem>>) target(%dma_start3A_55 : memref<128x8xf32, #tpu.memory_space<vmem_shared>>) target_semaphore(%run_scoped3A : memref<!tpu.dma_semaphore, #tpu.memory_space<semaphore_mem>>)
      %dma_wait3A = arith.constant 0 : i32
      %dma_wait3A_56 = tpu.memref_slice %arg24[%add3A_42, %dma_wait3A] : memref<10240x8xf32, #tpu.memory_space<vmem_shared>> -> memref<128x8xf32, #tpu.memory_space<vmem_shared>>
      %dma_wait3A_57 = arith.constant 0 : i32
      %dma_wait3A_58 = tpu.memref_slice %arg24[%add3A_42, %dma_wait3A_57] : memref<10240x8xf32, #tpu.memory_space<vmem_shared>> -> memref<128x8xf32, #tpu.memory_space<vmem_shared>>
      tpu.wait_dma2 semaphore(%run_scoped3A : memref<!tpu.dma_semaphore, #tpu.memory_space<semaphore_mem>>) src(%arg19 : memref<128x8xf32, #tpu.memory_space<vmem>>) dst(%dma_wait3A_58 : memref<128x8xf32, #tpu.memory_space<vmem_shared>>)
      tpu.yield
    }) : () -> ()
    %barrier3A = arith.constant 0 : index
    tpu.barrier barrier_id(%barrier3A)
    %scan3A_43 = arith.constant 0 : i32
    %scan3A_44 = arith.constant 0 : i32
    %scan3A_45 = arith.constant 41 : i32
    %scan3A_46 = arith.addi %scan3A_44, %scan3A_45 : i32
    %scan3A_47 = arith.constant 1 : i32
    %scan3A_48 = scf.for %scan3A_53 = %scan3A_44 to %scan3A_46 step %scan3A_47 iter_args(%scan3A_54 = %scan3A_43) -> (i32)  : i32 {
      %mul3A_55 = arith.constant 2 : i32
      %mul3A_56 = arith.muli %mul3A_55, %scan3A_53 : i32
      %add3A_57 = arith.addi %mul3A_9, %mul3A_56 : i32
      %mul3A_58 = arith.constant 128 : i32
      %mul3A_59 = arith.muli %add3A_57, %mul3A_58 : i32
      "tpu.region"() ({
        %run_scoped3A = tpu.sem_alloc : memref<!tpu.dma_semaphore, #tpu.memory_space<semaphore_mem>>
        %dma_start3A_239 = tpu.memref_slice %arg2[%mul3A_59] : memref<335872xi32, #tpu.memory_space<hbm>> -> memref<256xi32, #tpu.memory_space<hbm>>
        %dma_start3A_240 = tpu.memref_slice %arg2[%mul3A_59] : memref<335872xi32, #tpu.memory_space<hbm>> -> memref<256xi32, #tpu.memory_space<hbm>>
        tpu.enqueue_dma source(%dma_start3A_240 : memref<256xi32, #tpu.memory_space<hbm>>) target(%arg9 : memref<256xi32, #tpu.memory_space<vmem>>) target_semaphore(%run_scoped3A : memref<!tpu.dma_semaphore, #tpu.memory_space<semaphore_mem>>)
        %dma_wait3A_241 = tpu.memref_slice %arg2[%mul3A_59] : memref<335872xi32, #tpu.memory_space<hbm>> -> memref<256xi32, #tpu.memory_space<hbm>>
        %dma_wait3A_242 = tpu.memref_slice %arg2[%mul3A_59] : memref<335872xi32, #tpu.memory_space<hbm>> -> memref<256xi32, #tpu.memory_space<hbm>>
        tpu.wait_dma2 semaphore(%run_scoped3A : memref<!tpu.dma_semaphore, #tpu.memory_space<semaphore_mem>>) src(%dma_wait3A_242 : memref<256xi32, #tpu.memory_space<hbm>>) dst(%arg9 : memref<256xi32, #tpu.memory_space<vmem>>)
        tpu.yield
      }) : () -> ()
      "tpu.region"() ({
        %run_scoped3A = tpu.sem_alloc : memref<!tpu.dma_semaphore, #tpu.memory_space<semaphore_mem>>
        %dma_start3A_239 = tpu.memref_slice %arg3[%mul3A_59] : memref<335872xi32, #tpu.memory_space<hbm>> -> memref<256xi32, #tpu.memory_space<hbm>>
        %dma_start3A_240 = tpu.memref_slice %arg3[%mul3A_59] : memref<335872xi32, #tpu.memory_space<hbm>> -> memref<256xi32, #tpu.memory_space<hbm>>
        tpu.enqueue_dma source(%dma_start3A_240 : memref<256xi32, #tpu.memory_space<hbm>>) target(%arg10 : memref<256xi32, #tpu.memory_space<vmem>>) target_semaphore(%run_scoped3A : memref<!tpu.dma_semaphore, #tpu.memory_space<semaphore_mem>>)
        %dma_wait3A_241 = tpu.memref_slice %arg3[%mul3A_59] : memref<335872xi32, #tpu.memory_space<hbm>> -> memref<256xi32, #tpu.memory_space<hbm>>
        %dma_wait3A_242 = tpu.memref_slice %arg3[%mul3A_59] : memref<335872xi32, #tpu.memory_space<hbm>> -> memref<256xi32, #tpu.memory_space<hbm>>
        tpu.wait_dma2 semaphore(%run_scoped3A : memref<!tpu.dma_semaphore, #tpu.memory_space<semaphore_mem>>) src(%dma_wait3A_242 : memref<256xi32, #tpu.memory_space<hbm>>) dst(%arg10 : memref<256xi32, #tpu.memory_space<vmem>>)
        tpu.yield
      }) : () -> ()
      %get3A = arith.constant 0 : index
      %get3A_60 = tpu.vector_load %arg10[%get3A] {strides = array<i32>} : memref<256xi32, #tpu.memory_space<vmem>>, vector<16xi32>,
      %swap3A = arith.constant 0 : index
      %swap3A_61 = tpu.vector_load %arg11[%swap3A] {strides = array<i32>} : memref<128xi32, #tpu.memory_space<vmem>>, vector<16xi32>,
      tpu.vector_store %arg11[%swap3A], %get3A_60 {strides = array<i32>} : memref<128xi32, #tpu.memory_space<vmem>>, vector<16xi32>,
      %get3A_62 = arith.constant 128 : index
      %get3A_63 = tpu.vector_load %arg10[%get3A_62] {strides = array<i32>} : memref<256xi32, #tpu.memory_space<vmem>>, vector<16xi32>,
      %swap3A_64 = arith.constant 0 : index
      %swap3A_65 = tpu.vector_load %arg12[%swap3A_64] {strides = array<i32>} : memref<128xi32, #tpu.memory_space<vmem>>, vector<16xi32>,
      tpu.vector_store %arg12[%swap3A_64], %get3A_63 {strides = array<i32>} : memref<128xi32, #tpu.memory_space<vmem>>, vector<16xi32>,
      %get3A_66 = arith.constant 16 : index
      %get3A_67 = tpu.vector_load %arg10[%get3A_66] {strides = array<i32>} : memref<256xi32, #tpu.memory_space<vmem>>, vector<16xi32>,
      %swap3A_68 = arith.constant 16 : index
      %swap3A_69 = tpu.vector_load %arg11[%swap3A_68] {strides = array<i32>} : memref<128xi32, #tpu.memory_space<vmem>>, vector<16xi32>,
      tpu.vector_store %arg11[%swap3A_68], %get3A_67 {strides = array<i32>} : memref<128xi32, #tpu.memory_space<vmem>>, vector<16xi32>,
      %get3A_70 = arith.constant 144 : index
      %get3A_71 = tpu.vector_load %arg10[%get3A_70] {strides = array<i32>} : memref<256xi32, #tpu.memory_space<vmem>>, vector<16xi32>,
      %swap3A_72 = arith.constant 16 : index
      %swap3A_73 = tpu.vector_load %arg12[%swap3A_72] {strides = array<i32>} : memref<128xi32, #tpu.memory_space<vmem>>, vector<16xi32>,
      tpu.vector_store %arg12[%swap3A_72], %get3A_71 {strides = array<i32>} : memref<128xi32, #tpu.memory_space<vmem>>, vector<16xi32>,
      %get3A_74 = arith.constant 32 : index
      %get3A_75 = tpu.vector_load %arg10[%get3A_74] {strides = array<i32>} : memref<256xi32, #tpu.memory_space<vmem>>, vector<16xi32>,
      %swap3A_76 = arith.constant 32 : index
      %swap3A_77 = tpu.vector_load %arg11[%swap3A_76] {strides = array<i32>} : memref<128xi32, #tpu.memory_space<vmem>>, vector<16xi32>,
      tpu.vector_store %arg11[%swap3A_76], %get3A_75 {strides = array<i32>} : memref<128xi32, #tpu.memory_space<vmem>>, vector<16xi32>,
      %get3A_78 = arith.constant 160 : index
      %get3A_79 = tpu.vector_load %arg10[%get3A_78] {strides = array<i32>} : memref<256xi32, #tpu.memory_space<vmem>>, vector<16xi32>,
      %swap3A_80 = arith.constant 32 : index
      %swap3A_81 = tpu.vector_load %arg12[%swap3A_80] {strides = array<i32>} : memref<128xi32, #tpu.memory_space<vmem>>, vector<16xi32>,
      tpu.vector_store %arg12[%swap3A_80], %get3A_79 {strides = array<i32>} : memref<128xi32, #tpu.memory_space<vmem>>, vector<16xi32>,
      %get3A_82 = arith.constant 48 : index
      %get3A_83 = tpu.vector_load %arg10[%get3A_82] {strides = array<i32>} : memref<256xi32, #tpu.memory_space<vmem>>, vector<16xi32>,
      %swap3A_84 = arith.constant 48 : index
      %swap3A_85 = tpu.vector_load %arg11[%swap3A_84] {strides = array<i32>} : memref<128xi32, #tpu.memory_space<vmem>>, vector<16xi32>,
      tpu.vector_store %arg11[%swap3A_84], %get3A_83 {strides = array<i32>} : memref<128xi32, #tpu.memory_space<vmem>>, vector<16xi32>,
      %get3A_86 = arith.constant 176 : index
      %get3A_87 = tpu.vector_load %arg10[%get3A_86] {strides = array<i32>} : memref<256xi32, #tpu.memory_space<vmem>>, vector<16xi32>,
      %swap3A_88 = arith.constant 48 : index
      %swap3A_89 = tpu.vector_load %arg12[%swap3A_88] {strides = array<i32>} : memref<128xi32, #tpu.memory_space<vmem>>, vector<16xi32>,
      tpu.vector_store %arg12[%swap3A_88], %get3A_87 {strides = array<i32>} : memref<128xi32, #tpu.memory_space<vmem>>, vector<16xi32>,
      %get3A_90 = arith.constant 64 : index
      %get3A_91 = tpu.vector_load %arg10[%get3A_90] {strides = array<i32>} : memref<256xi32, #tpu.memory_space<vmem>>, vector<16xi32>,
      %swap3A_92 = arith.constant 64 : index
      %swap3A_93 = tpu.vector_load %arg11[%swap3A_92] {strides = array<i32>} : memref<128xi32, #tpu.memory_space<vmem>>, vector<16xi32>,
      tpu.vector_store %arg11[%swap3A_92], %get3A_91 {strides = array<i32>} : memref<128xi32, #tpu.memory_space<vmem>>, vector<16xi32>,
      %get3A_94 = arith.constant 192 : index
      %get3A_95 = tpu.vector_load %arg10[%get3A_94] {strides = array<i32>} : memref<256xi32, #tpu.memory_space<vmem>>, vector<16xi32>,
      %swap3A_96 = arith.constant 64 : index
      %swap3A_97 = tpu.vector_load %arg12[%swap3A_96] {strides = array<i32>} : memref<128xi32, #tpu.memory_space<vmem>>, vector<16xi32>,
      tpu.vector_store %arg12[%swap3A_96], %get3A_95 {strides = array<i32>} : memref<128xi32, #tpu.memory_space<vmem>>, vector<16xi32>,
      %get3A_98 = arith.constant 80 : index
      %get3A_99 = tpu.vector_load %arg10[%get3A_98] {strides = array<i32>} : memref<256xi32, #tpu.memory_space<vmem>>, vector<16xi32>,
      %swap3A_100 = arith.constant 80 : index
      %swap3A_101 = tpu.vector_load %arg11[%swap3A_100] {strides = array<i32>} : memref<128xi32, #tpu.memory_space<vmem>>, vector<16xi32>,
      tpu.vector_store %arg11[%swap3A_100], %get3A_99 {strides = array<i32>} : memref<128xi32, #tpu.memory_space<vmem>>, vector<16xi32>,
      %get3A_102 = arith.constant 208 : index
      %get3A_103 = tpu.vector_load %arg10[%get3A_102] {strides = array<i32>} : memref<256xi32, #tpu.memory_space<vmem>>, vector<16xi32>,
      %swap3A_104 = arith.constant 80 : index
      %swap3A_105 = tpu.vector_load %arg12[%swap3A_104] {strides = array<i32>} : memref<128xi32, #tpu.memory_space<vmem>>, vector<16xi32>,
      tpu.vector_store %arg12[%swap3A_104], %get3A_103 {strides = array<i32>} : memref<128xi32, #tpu.memory_space<vmem>>, vector<16xi32>,
      %get3A_106 = arith.constant 96 : index
      %get3A_107 = tpu.vector_load %arg10[%get3A_106] {strides = array<i32>} : memref<256xi32, #tpu.memory_space<vmem>>, vector<16xi32>,
      %swap3A_108 = arith.constant 96 : index
      %swap3A_109 = tpu.vector_load %arg11[%swap3A_108] {strides = array<i32>} : memref<128xi32, #tpu.memory_space<vmem>>, vector<16xi32>,
      tpu.vector_store %arg11[%swap3A_108], %get3A_107 {strides = array<i32>} : memref<128xi32, #tpu.memory_space<vmem>>, vector<16xi32>,
      %get3A_110 = arith.constant 224 : index
      %get3A_111 = tpu.vector_load %arg10[%get3A_110] {strides = array<i32>} : memref<256xi32, #tpu.memory_space<vmem>>, vector<16xi32>,
      %swap3A_112 = arith.constant 96 : index
      %swap3A_113 = tpu.vector_load %arg12[%swap3A_112] {strides = array<i32>} : memref<128xi32, #tpu.memory_space<vmem>>, vector<16xi32>,
      tpu.vector_store %arg12[%swap3A_112], %get3A_111 {strides = array<i32>} : memref<128xi32, #tpu.memory_space<vmem>>, vector<16xi32>,
      %get3A_114 = arith.constant 112 : index
      %get3A_115 = tpu.vector_load %arg10[%get3A_114] {strides = array<i32>} : memref<256xi32, #tpu.memory_space<vmem>>, vector<16xi32>,
      %swap3A_116 = arith.constant 112 : index
      %swap3A_117 = tpu.vector_load %arg11[%swap3A_116] {strides = array<i32>} : memref<128xi32, #tpu.memory_space<vmem>>, vector<16xi32>,
      tpu.vector_store %arg11[%swap3A_116], %get3A_115 {strides = array<i32>} : memref<128xi32, #tpu.memory_space<vmem>>, vector<16xi32>,
      %get3A_118 = arith.constant 240 : index
      %get3A_119 = tpu.vector_load %arg10[%get3A_118] {strides = array<i32>} : memref<256xi32, #tpu.memory_space<vmem>>, vector<16xi32>,
      %swap3A_120 = arith.constant 112 : index
      %swap3A_121 = tpu.vector_load %arg12[%swap3A_120] {strides = array<i32>} : memref<128xi32, #tpu.memory_space<vmem>>, vector<16xi32>,
      tpu.vector_store %arg12[%swap3A_120], %get3A_119 {strides = array<i32>} : memref<128xi32, #tpu.memory_space<vmem>>, vector<16xi32>,
      %dma_start3A = arith.constant 0 : i32
      %dma_start3A_122 = tpu.memref_slice %arg9[%dma_start3A] : memref<256xi32, #tpu.memory_space<vmem>> -> memref<128xi32, #tpu.memory_space<vmem>>
      %dma_start3A_123 = arith.constant 0 : i32
      %dma_start3A_124 = arith.constant 0 : i32
      %dma_start3A_125 = tpu.memref_slice %arg6[%dma_start3A_123, %dma_start3A_124] : memref<10240x128xf32, #tpu.memory_space<hbm>> -> memref<10240x128xf32, #tpu.memory_space<hbm>>
      tpu.enqueue_indirect_dma source(%dma_start3A_125 : memref<10240x128xf32, #tpu.memory_space<hbm>>) target(%arg21 : memref<128x128xf32, #tpu.memory_space<vmem>>) offsets(%dma_start3A_122 : memref<128xi32, #tpu.memory_space<vmem>>) semaphore(%arg31 : memref<!tpu.dma_semaphore, #tpu.memory_space<semaphore_mem>>)
      %dma_start3A_126 = arith.constant 128 : i32
      %dma_start3A_127 = tpu.memref_slice %arg9[%dma_start3A_126] : memref<256xi32, #tpu.memory_space<vmem>> -> memref<128xi32, #tpu.memory_space<vmem>>
      %dma_start3A_128 = arith.constant 0 : i32
      %dma_start3A_129 = arith.constant 0 : i32
      %dma_start3A_130 = tpu.memref_slice %arg6[%dma_start3A_128, %dma_start3A_129] : memref<10240x128xf32, #tpu.memory_space<hbm>> -> memref<10240x128xf32, #tpu.memory_space<hbm>>
      tpu.enqueue_indirect_dma source(%dma_start3A_130 : memref<10240x128xf32, #tpu.memory_space<hbm>>) target(%arg22 : memref<128x128xf32, #tpu.memory_space<vmem>>) offsets(%dma_start3A_127 : memref<128xi32, #tpu.memory_space<vmem>>) semaphore(%arg32 : memref<!tpu.dma_semaphore, #tpu.memory_space<semaphore_mem>>)
      %dma_start3A_131 = arith.constant 0 : i32
      %dma_start3A_132 = arith.constant 0 : i32
      %dma_start3A_133 = tpu.memref_slice %arg4[%dma_start3A_131, %dma_start3A_132] : memref<10240x8xf32, #tpu.memory_space<hbm>> -> memref<10240x8xf32, #tpu.memory_space<hbm>>
      tpu.enqueue_indirect_dma source(%dma_start3A_133 : memref<10240x8xf32, #tpu.memory_space<hbm>>) target(%arg13 : memref<128x8xf32, #tpu.memory_space<vmem>>) offsets(%arg11 : memref<128xi32, #tpu.memory_space<vmem>>) semaphore(%arg25 : memref<!tpu.dma_semaphore, #tpu.memory_space<semaphore_mem>>)
      %dma_start3A_134 = arith.constant 0 : i32
      %dma_start3A_135 = tpu.memref_slice %arg9[%dma_start3A_134] : memref<256xi32, #tpu.memory_space<vmem>> -> memref<128xi32, #tpu.memory_space<vmem>>
      %dma_start3A_136 = arith.constant 0 : i32
      %dma_start3A_137 = arith.constant 0 : i32
      %dma_start3A_138 = tpu.memref_slice %arg4[%dma_start3A_136, %dma_start3A_137] : memref<10240x8xf32, #tpu.memory_space<hbm>> -> memref<10240x8xf32, #tpu.memory_space<hbm>>
      tpu.enqueue_indirect_dma source(%dma_start3A_138 : memref<10240x8xf32, #tpu.memory_space<hbm>>) target(%arg15 : memref<128x8xf32, #tpu.memory_space<vmem>>) offsets(%dma_start3A_135 : memref<128xi32, #tpu.memory_space<vmem>>) semaphore(%arg27 : memref<!tpu.dma_semaphore, #tpu.memory_space<semaphore_mem>>)
      %mul3A_139 = arith.constant 8 : i32
      %mul3A_140 = arith.muli %mul3A_59, %mul3A_139 : i32
      %dma_start3A_141 = tpu.memref_slice %arg5[%mul3A_140] : memref<2686976xf32, #tpu.memory_space<hbm>> -> memref<1024xf32, #tpu.memory_space<hbm>>
      %dma_start3A_142 = tpu.memref_slice %arg5[%mul3A_140] : memref<2686976xf32, #tpu.memory_space<hbm>> -> memref<1024xf32, #tpu.memory_space<hbm>>
      tpu.enqueue_dma source(%dma_start3A_142 : memref<1024xf32, #tpu.memory_space<hbm>>) target(%arg17 : memref<1024xf32, #tpu.memory_space<vmem>>) target_semaphore(%arg29 : memref<!tpu.dma_semaphore, #tpu.memory_space<semaphore_mem>>)
      %dma_start3A_143 = arith.constant 0 : i32
      %dma_start3A_144 = arith.constant 0 : i32
      %dma_start3A_145 = tpu.memref_slice %arg4[%dma_start3A_143, %dma_start3A_144] : memref<10240x8xf32, #tpu.memory_space<hbm>> -> memref<10240x8xf32, #tpu.memory_space<hbm>>
      tpu.enqueue_indirect_dma source(%dma_start3A_145 : memref<10240x8xf32, #tpu.memory_space<hbm>>) target(%arg14 : memref<128x8xf32, #tpu.memory_space<vmem>>) offsets(%arg12 : memref<128xi32, #tpu.memory_space<vmem>>) semaphore(%arg26 : memref<!tpu.dma_semaphore, #tpu.memory_space<semaphore_mem>>)
      %dma_start3A_146 = arith.constant 128 : i32
      %dma_start3A_147 = tpu.memref_slice %arg9[%dma_start3A_146] : memref<256xi32, #tpu.memory_space<vmem>> -> memref<128xi32, #tpu.memory_space<vmem>>
      %dma_start3A_148 = arith.constant 0 : i32
      %dma_start3A_149 = arith.constant 0 : i32
      %dma_start3A_150 = tpu.memref_slice %arg4[%dma_start3A_148, %dma_start3A_149] : memref<10240x8xf32, #tpu.memory_space<hbm>> -> memref<10240x8xf32, #tpu.memory_space<hbm>>
      tpu.enqueue_indirect_dma source(%dma_start3A_150 : memref<10240x8xf32, #tpu.memory_space<hbm>>) target(%arg16 : memref<128x8xf32, #tpu.memory_space<vmem>>) offsets(%dma_start3A_147 : memref<128xi32, #tpu.memory_space<vmem>>) semaphore(%arg28 : memref<!tpu.dma_semaphore, #tpu.memory_space<semaphore_mem>>)
      %add3A_151 = arith.constant 128 : i32
      %add3A_152 = arith.addi %mul3A_59, %add3A_151 : i32
      %mul3A_153 = arith.constant 8 : i32
      %mul3A_154 = arith.muli %add3A_152, %mul3A_153 : i32
      %dma_start3A_155 = tpu.memref_slice %arg5[%mul3A_154] : memref<2686976xf32, #tpu.memory_space<hbm>> -> memref<1024xf32, #tpu.memory_space<hbm>>
      %dma_start3A_156 = tpu.memref_slice %arg5[%mul3A_154] : memref<2686976xf32, #tpu.memory_space<hbm>> -> memref<1024xf32, #tpu.memory_space<hbm>>
      tpu.enqueue_dma source(%dma_start3A_156 : memref<1024xf32, #tpu.memory_space<hbm>>) target(%arg18 : memref<1024xf32, #tpu.memory_space<vmem>>) target_semaphore(%arg30 : memref<!tpu.dma_semaphore, #tpu.memory_space<semaphore_mem>>)
      %dma_wait3A = arith.constant 0 : i32
      %dma_wait3A_157 = arith.constant 0 : i32
      %dma_wait3A_158 = tpu.memref_slice %arg4[%dma_wait3A, %dma_wait3A_157] : memref<10240x8xf32, #tpu.memory_space<hbm>> -> memref<10240x8xf32, #tpu.memory_space<hbm>>
      tpu.wait_indirect_dma semaphore(%arg25 : memref<!tpu.dma_semaphore, #tpu.memory_space<semaphore_mem>>) src(%dma_wait3A_158 : memref<10240x8xf32, #tpu.memory_space<hbm>>) dst(%arg13 : memref<128x8xf32, #tpu.memory_space<vmem>>)
      %dma_wait3A_159 = arith.constant 0 : i32
      %dma_wait3A_160 = tpu.memref_slice %arg9[%dma_wait3A_159] : memref<256xi32, #tpu.memory_space<vmem>> -> memref<128xi32, #tpu.memory_space<vmem>>
      %dma_wait3A_161 = arith.constant 0 : i32
      %dma_wait3A_162 = arith.constant 0 : i32
      %dma_wait3A_163 = tpu.memref_slice %arg4[%dma_wait3A_161, %dma_wait3A_162] : memref<10240x8xf32, #tpu.memory_space<hbm>> -> memref<10240x8xf32, #tpu.memory_space<hbm>>
      tpu.wait_indirect_dma semaphore(%arg27 : memref<!tpu.dma_semaphore, #tpu.memory_space<semaphore_mem>>) src(%dma_wait3A_163 : memref<10240x8xf32, #tpu.memory_space<hbm>>) dst(%arg15 : memref<128x8xf32, #tpu.memory_space<vmem>>)
      %dma_wait3A_164 = tpu.memref_slice %arg5[%mul3A_140] : memref<2686976xf32, #tpu.memory_space<hbm>> -> memref<1024xf32, #tpu.memory_space<hbm>>
      %dma_wait3A_165 = tpu.memref_slice %arg5[%mul3A_140] : memref<2686976xf32, #tpu.memory_space<hbm>> -> memref<1024xf32, #tpu.memory_space<hbm>>
      tpu.wait_dma2 semaphore(%arg29 : memref<!tpu.dma_semaphore, #tpu.memory_space<semaphore_mem>>) src(%dma_wait3A_165 : memref<1024xf32, #tpu.memory_space<hbm>>) dst(%arg17 : memref<1024xf32, #tpu.memory_space<vmem>>)
      %scan3A_166 = arith.constant 0 : i32
      %scan3A_167 = arith.constant 0 : i32
      %scan3A_168 = arith.constant 64 : i32
      %scan3A_169 = arith.addi %scan3A_167, %scan3A_168 : i32
      %scan3A_170 = arith.constant 1 : i32
      %scan3A_171 = scf.for %scan3A_239 = %scan3A_167 to %scan3A_169 step %scan3A_170 iter_args(%scan3A_240 = %scan3A_166) -> (i32)  : i32 {
        %mul3A_241 = arith.constant 2 : i32
        %mul3A_242 = arith.muli %mul3A_241, %scan3A_239 : i32
        %add3A_243 = vector.broadcast %mul3A_242 : i32 to vector<16xi32>
        %add3A_244 = arith.addi %add3A_243, %shift_right_logical3A_3 : vector<16xi32>
        %gather3A = tpu.vector_load_idx %arg13[%add3A_244, %and3A_1] : memref<128x8xf32, #tpu.memory_space<vmem>>[vector<16xi32>, vector<16xi32>], vector<16xf32>,
        %bitcast3A = vector.bitcast %gather3A : vector<16xf32> to vector<16xi32>
        %gather3A_245 = tpu.vector_load_idx %arg15[%add3A_244, %and3A_1] : memref<128x8xf32, #tpu.memory_space<vmem>>[vector<16xi32>, vector<16xi32>], vector<16xf32>,
        %bitcast3A_246 = vector.bitcast %gather3A_245 : vector<16xf32> to vector<16xi32>
        %shift_left3A = arith.constant 16 : i32
        %shift_left3A_247 = vector.broadcast %shift_left3A : i32 to vector<16xi32>
        %shift_left3A_248 = arith.shli %bitcast3A, %shift_left3A_247 : vector<16xi32>
        %bitcast3A_249 = vector.bitcast %shift_left3A_248 : vector<16xi32> to vector<16xf32>
        %and3A_250 = arith.andi %bitcast3A_246, %broadcast_in_dim3A_6 : vector<16xi32>
        %bitcast3A_251 = vector.bitcast %and3A_250 : vector<16xi32> to vector<16xf32>
        %mul3A_252 = arith.constant 16 : i32
        %mul3A_253 = arith.muli %scan3A_239, %mul3A_252 : i32
        %get3A_254 = arith.index_cast %mul3A_253 : i32 to index
        %get3A_255 = tpu.vector_load %arg17[%get3A_254] {strides = array<i32>} : memref<1024xf32, #tpu.memory_space<vmem>>, vector<16xf32>,
        %add3A_256 = arith.addf %bitcast3A_249, %bitcast3A_251 : vector<16xf32>
        %add3A_257 = arith.addf %add3A_256, %get3A_255 : vector<16xf32>
        %mul3A_258 = arith.constant 2.000000e-01 : f32
        %mul3A_259 = vector.broadcast %mul3A_258 : f32 to vector<16xf32>
        %mul3A_260 = arith.mulf %mul3A_259, %add3A_257 : vector<16xf32>
        %max3A = arith.maximumf %add3A_257, %mul3A_260 : vector<16xf32>
        %exp3A = math.exp %max3A : vector<16xf32>
        tpu.vector_store_idx %arg19[%add3A_244, %and3A_1], %exp3A : memref<128x8xf32, #tpu.memory_space<vmem>>[vector<16xi32>, vector<16xi32>], vector<16xf32>,
        %scan3A_261 = arith.constant 0 : i32
        scf.yield %scan3A_261 : i32
      }
      %scan3A_172 = arith.constant 64 : i32
      %dma_start3A_173 = arith.constant 0 : i32
      %dma_start3A_174 = arith.constant 0 : i32
      %dma_start3A_175 = tpu.memref_slice %arg24[%dma_start3A_173, %dma_start3A_174] : memref<10240x8xf32, #tpu.memory_space<vmem_shared>> -> memref<10240x8xf32, #tpu.memory_space<vmem_shared>>
      tpu.enqueue_indirect_dma source(%arg19 : memref<128x8xf32, #tpu.memory_space<vmem>>) target(%dma_start3A_175 : memref<10240x8xf32, #tpu.memory_space<vmem_shared>>) offsets(%arg11 : memref<128xi32, #tpu.memory_space<vmem>>) semaphore(%arg33 : memref<!tpu.dma_semaphore, #tpu.memory_space<semaphore_mem>>) {add = true}
      %dma_wait3A_176 = arith.constant 0 : i32
      %dma_wait3A_177 = tpu.memref_slice %arg9[%dma_wait3A_176] : memref<256xi32, #tpu.memory_space<vmem>> -> memref<128xi32, #tpu.memory_space<vmem>>
      %dma_wait3A_178 = arith.constant 0 : i32
      %dma_wait3A_179 = arith.constant 0 : i32
      %dma_wait3A_180 = tpu.memref_slice %arg6[%dma_wait3A_178, %dma_wait3A_179] : memref<10240x128xf32, #tpu.memory_space<hbm>> -> memref<10240x128xf32, #tpu.memory_space<hbm>>
      tpu.wait_indirect_dma semaphore(%arg31 : memref<!tpu.dma_semaphore, #tpu.memory_space<semaphore_mem>>) src(%dma_wait3A_180 : memref<10240x128xf32, #tpu.memory_space<hbm>>) dst(%arg21 : memref<128x128xf32, #tpu.memory_space<vmem>>)
      %scan3A_181 = arith.constant 0 : i32
      %scan3A_182 = arith.constant 0 : i32
      %scan3A_183 = arith.constant 64 : i32
      %scan3A_184 = arith.addi %scan3A_182, %scan3A_183 : i32
      %scan3A_185 = arith.constant 1 : i32
      %scan3A_186 = scf.for %scan3A_239 = %scan3A_182 to %scan3A_184 step %scan3A_185 iter_args(%scan3A_240 = %scan3A_181) -> (i32)  : i32 {
        %mul3A_241 = arith.constant 2 : i32
        %mul3A_242 = arith.muli %mul3A_241, %scan3A_239 : i32
        %add3A_243 = vector.broadcast %mul3A_242 : i32 to vector<16xi32>
        %add3A_244 = arith.addi %add3A_243, %shift_right_logical3A_3 : vector<16xi32>
        %gather3A = tpu.vector_load_idx %arg19[%add3A_244, %and3A_1] : memref<128x8xf32, #tpu.memory_space<vmem>>[vector<16xi32>, vector<16xi32>], vector<16xf32>,
        %mul3A_245 = arith.constant 2 : i32
        %mul3A_246 = arith.muli %mul3A_245, %scan3A_239 : i32
        %add3A_247 = arith.constant 0 : i32
        %add3A_248 = arith.addi %mul3A_246, %add3A_247 : i32
        %get3A_249 = arith.index_cast %add3A_248 : i32 to index
        %get3A_250 = arith.constant 0 : index
        %get3A_251 = tpu.vector_load %arg21[%get3A_249, %get3A_250] {strides = array<i32>} : memref<128x128xf32, #tpu.memory_space<vmem>>, vector<16xf32>,
        %broadcast_in_dim3A_252 = arith.constant 0 : i32
        %broadcast_in_dim3A_253 = vector.broadcast %broadcast_in_dim3A_252 : i32 to vector<16x1xi32>
        %gather3A_254 = vector.shape_cast %broadcast_in_dim3A_253 : vector<16x1xi32> to vector<16xi32>
        %gather3A_255 = tpu.dynamic_gather %gather3A[%gather3A_254] in [0] : vector<16xf32>, vector<16xi32> -> vector<16xf32>
        %mul3A_256 = arith.mulf %get3A_251, %gather3A_255 : vector<16xf32>
        %swap3A_257 = arith.index_cast %add3A_248 : i32 to index
        %swap3A_258 = arith.constant 0 : index
        %swap3A_259 = tpu.vector_load %arg21[%swap3A_257, %swap3A_258] {strides = array<i32>} : memref<128x128xf32, #tpu.memory_space<vmem>>, vector<16xf32>,
        tpu.vector_store %arg21[%swap3A_257, %swap3A_258], %mul3A_256 {strides = array<i32>} : memref<128x128xf32, #tpu.memory_space<vmem>>, vector<16xf32>,
        %mul3A_260 = arith.constant 2 : i32
        %mul3A_261 = arith.muli %mul3A_260, %scan3A_239 : i32
        %add3A_262 = arith.constant 0 : i32
        %add3A_263 = arith.addi %mul3A_261, %add3A_262 : i32
        %get3A_264 = arith.index_cast %add3A_263 : i32 to index
        %get3A_265 = arith.constant 16 : index
        %get3A_266 = tpu.vector_load %arg21[%get3A_264, %get3A_265] {strides = array<i32>} : memref<128x128xf32, #tpu.memory_space<vmem>>, vector<16xf32>,
        %broadcast_in_dim3A_267 = arith.constant 1 : i32
        %broadcast_in_dim3A_268 = vector.broadcast %broadcast_in_dim3A_267 : i32 to vector<16x1xi32>
        %gather3A_269 = vector.shape_cast %broadcast_in_dim3A_268 : vector<16x1xi32> to vector<16xi32>
        %gather3A_270 = tpu.dynamic_gather %gather3A[%gather3A_269] in [0] : vector<16xf32>, vector<16xi32> -> vector<16xf32>
        %mul3A_271 = arith.mulf %get3A_266, %gather3A_270 : vector<16xf32>
        %swap3A_272 = arith.index_cast %add3A_263 : i32 to index
        %swap3A_273 = arith.constant 16 : index
        %swap3A_274 = tpu.vector_load %arg21[%swap3A_272, %swap3A_273] {strides = array<i32>} : memref<128x128xf32, #tpu.memory_space<vmem>>, vector<16xf32>,
        tpu.vector_store %arg21[%swap3A_272, %swap3A_273], %mul3A_271 {strides = array<i32>} : memref<128x128xf32, #tpu.memory_space<vmem>>, vector<16xf32>,
        %mul3A_275 = arith.constant 2 : i32
        %mul3A_276 = arith.muli %mul3A_275, %scan3A_239 : i32
        %add3A_277 = arith.constant 0 : i32
        %add3A_278 = arith.addi %mul3A_276, %add3A_277 : i32
        %get3A_279 = arith.index_cast %add3A_278 : i32 to index
        %get3A_280 = arith.constant 32 : index
        %get3A_281 = tpu.vector_load %arg21[%get3A_279, %get3A_280] {strides = array<i32>} : memref<128x128xf32, #tpu.memory_space<vmem>>, vector<16xf32>,
        %broadcast_in_dim3A_282 = arith.constant 2 : i32
        %broadcast_in_dim3A_283 = vector.broadcast %broadcast_in_dim3A_282 : i32 to vector<16x1xi32>
        %gather3A_284 = vector.shape_cast %broadcast_in_dim3A_283 : vector<16x1xi32> to vector<16xi32>
        %gather3A_285 = tpu.dynamic_gather %gather3A[%gather3A_284] in [0] : vector<16xf32>, vector<16xi32> -> vector<16xf32>
        %mul3A_286 = arith.mulf %get3A_281, %gather3A_285 : vector<16xf32>
        %swap3A_287 = arith.index_cast %add3A_278 : i32 to index
        %swap3A_288 = arith.constant 32 : index
        %swap3A_289 = tpu.vector_load %arg21[%swap3A_287, %swap3A_288] {strides = array<i32>} : memref<128x128xf32, #tpu.memory_space<vmem>>, vector<16xf32>,
        tpu.vector_store %arg21[%swap3A_287, %swap3A_288], %mul3A_286 {strides = array<i32>} : memref<128x128xf32, #tpu.memory_space<vmem>>, vector<16xf32>,
        %mul3A_290 = arith.constant 2 : i32
        %mul3A_291 = arith.muli %mul3A_290, %scan3A_239 : i32
        %add3A_292 = arith.constant 0 : i32
        %add3A_293 = arith.addi %mul3A_291, %add3A_292 : i32
        %get3A_294 = arith.index_cast %add3A_293 : i32 to index
        %get3A_295 = arith.constant 48 : index
        %get3A_296 = tpu.vector_load %arg21[%get3A_294, %get3A_295] {strides = array<i32>} : memref<128x128xf32, #tpu.memory_space<vmem>>, vector<16xf32>,
        %broadcast_in_dim3A_297 = arith.constant 3 : i32
        %broadcast_in_dim3A_298 = vector.broadcast %broadcast_in_dim3A_297 : i32 to vector<16x1xi32>
        %gather3A_299 = vector.shape_cast %broadcast_in_dim3A_298 : vector<16x1xi32> to vector<16xi32>
        %gather3A_300 = tpu.dynamic_gather %gather3A[%gather3A_299] in [0] : vector<16xf32>, vector<16xi32> -> vector<16xf32>
        %mul3A_301 = arith.mulf %get3A_296, %gather3A_300 : vector<16xf32>
        %swap3A_302 = arith.index_cast %add3A_293 : i32 to index
        %swap3A_303 = arith.constant 48 : index
        %swap3A_304 = tpu.vector_load %arg21[%swap3A_302, %swap3A_303] {strides = array<i32>} : memref<128x128xf32, #tpu.memory_space<vmem>>, vector<16xf32>,
        tpu.vector_store %arg21[%swap3A_302, %swap3A_303], %mul3A_301 {strides = array<i32>} : memref<128x128xf32, #tpu.memory_space<vmem>>, vector<16xf32>,
        %mul3A_305 = arith.constant 2 : i32
        %mul3A_306 = arith.muli %mul3A_305, %scan3A_239 : i32
        %add3A_307 = arith.constant 0 : i32
        %add3A_308 = arith.addi %mul3A_306, %add3A_307 : i32
        %get3A_309 = arith.index_cast %add3A_308 : i32 to index
        %get3A_310 = arith.constant 64 : index
        %get3A_311 = tpu.vector_load %arg21[%get3A_309, %get3A_310] {strides = array<i32>} : memref<128x128xf32, #tpu.memory_space<vmem>>, vector<16xf32>,
        %broadcast_in_dim3A_312 = arith.constant 4 : i32
        %broadcast_in_dim3A_313 = vector.broadcast %broadcast_in_dim3A_312 : i32 to vector<16x1xi32>
        %gather3A_314 = vector.shape_cast %broadcast_in_dim3A_313 : vector<16x1xi32> to vector<16xi32>
        %gather3A_315 = tpu.dynamic_gather %gather3A[%gather3A_314] in [0] : vector<16xf32>, vector<16xi32> -> vector<16xf32>
        %mul3A_316 = arith.mulf %get3A_311, %gather3A_315 : vector<16xf32>
        %swap3A_317 = arith.index_cast %add3A_308 : i32 to index
        %swap3A_318 = arith.constant 64 : index
        %swap3A_319 = tpu.vector_load %arg21[%swap3A_317, %swap3A_318] {strides = array<i32>} : memref<128x128xf32, #tpu.memory_space<vmem>>, vector<16xf32>,
        tpu.vector_store %arg21[%swap3A_317, %swap3A_318], %mul3A_316 {strides = array<i32>} : memref<128x128xf32, #tpu.memory_space<vmem>>, vector<16xf32>,
        %mul3A_320 = arith.constant 2 : i32
        %mul3A_321 = arith.muli %mul3A_320, %scan3A_239 : i32
        %add3A_322 = arith.constant 0 : i32
        %add3A_323 = arith.addi %mul3A_321, %add3A_322 : i32
        %get3A_324 = arith.index_cast %add3A_323 : i32 to index
        %get3A_325 = arith.constant 80 : index
        %get3A_326 = tpu.vector_load %arg21[%get3A_324, %get3A_325] {strides = array<i32>} : memref<128x128xf32, #tpu.memory_space<vmem>>, vector<16xf32>,
        %broadcast_in_dim3A_327 = arith.constant 5 : i32
        %broadcast_in_dim3A_328 = vector.broadcast %broadcast_in_dim3A_327 : i32 to vector<16x1xi32>
        %gather3A_329 = vector.shape_cast %broadcast_in_dim3A_328 : vector<16x1xi32> to vector<16xi32>
        %gather3A_330 = tpu.dynamic_gather %gather3A[%gather3A_329] in [0] : vector<16xf32>, vector<16xi32> -> vector<16xf32>
        %mul3A_331 = arith.mulf %get3A_326, %gather3A_330 : vector<16xf32>
        %swap3A_332 = arith.index_cast %add3A_323 : i32 to index
        %swap3A_333 = arith.constant 80 : index
        %swap3A_334 = tpu.vector_load %arg21[%swap3A_332, %swap3A_333] {strides = array<i32>} : memref<128x128xf32, #tpu.memory_space<vmem>>, vector<16xf32>,
        tpu.vector_store %arg21[%swap3A_332, %swap3A_333], %mul3A_331 {strides = array<i32>} : memref<128x128xf32, #tpu.memory_space<vmem>>, vector<16xf32>,
        %mul3A_335 = arith.constant 2 : i32
        %mul3A_336 = arith.muli %mul3A_335, %scan3A_239 : i32
        %add3A_337 = arith.constant 0 : i32
        %add3A_338 = arith.addi %mul3A_336, %add3A_337 : i32
        %get3A_339 = arith.index_cast %add3A_338 : i32 to index
        %get3A_340 = arith.constant 96 : index
        %get3A_341 = tpu.vector_load %arg21[%get3A_339, %get3A_340] {strides = array<i32>} : memref<128x128xf32, #tpu.memory_space<vmem>>, vector<16xf32>,
        %broadcast_in_dim3A_342 = arith.constant 6 : i32
        %broadcast_in_dim3A_343 = vector.broadcast %broadcast_in_dim3A_342 : i32 to vector<16x1xi32>
        %gather3A_344 = vector.shape_cast %broadcast_in_dim3A_343 : vector<16x1xi32> to vector<16xi32>
        %gather3A_345 = tpu.dynamic_gather %gather3A[%gather3A_344] in [0] : vector<16xf32>, vector<16xi32> -> vector<16xf32>
        %mul3A_346 = arith.mulf %get3A_341, %gather3A_345 : vector<16xf32>
        %swap3A_347 = arith.index_cast %add3A_338 : i32 to index
        %swap3A_348 = arith.constant 96 : index
        %swap3A_349 = tpu.vector_load %arg21[%swap3A_347, %swap3A_348] {strides = array<i32>} : memref<128x128xf32, #tpu.memory_space<vmem>>, vector<16xf32>,
        tpu.vector_store %arg21[%swap3A_347, %swap3A_348], %mul3A_346 {strides = array<i32>} : memref<128x128xf32, #tpu.memory_space<vmem>>, vector<16xf32>,
        %mul3A_350 = arith.constant 2 : i32
        %mul3A_351 = arith.muli %mul3A_350, %scan3A_239 : i32
        %add3A_352 = arith.constant 0 : i32
        %add3A_353 = arith.addi %mul3A_351, %add3A_352 : i32
        %get3A_354 = arith.index_cast %add3A_353 : i32 to index
        %get3A_355 = arith.constant 112 : index
        %get3A_356 = tpu.vector_load %arg21[%get3A_354, %get3A_355] {strides = array<i32>} : memref<128x128xf32, #tpu.memory_space<vmem>>, vector<16xf32>,
        %broadcast_in_dim3A_357 = arith.constant 7 : i32
        %broadcast_in_dim3A_358 = vector.broadcast %broadcast_in_dim3A_357 : i32 to vector<16x1xi32>
        %gather3A_359 = vector.shape_cast %broadcast_in_dim3A_358 : vector<16x1xi32> to vector<16xi32>
        %gather3A_360 = tpu.dynamic_gather %gather3A[%gather3A_359] in [0] : vector<16xf32>, vector<16xi32> -> vector<16xf32>
        %mul3A_361 = arith.mulf %get3A_356, %gather3A_360 : vector<16xf32>
        %swap3A_362 = arith.index_cast %add3A_353 : i32 to index
        %swap3A_363 = arith.constant 112 : index
        %swap3A_364 = tpu.vector_load %arg21[%swap3A_362, %swap3A_363] {strides = array<i32>} : memref<128x128xf32, #tpu.memory_space<vmem>>, vector<16xf32>,
        tpu.vector_store %arg21[%swap3A_362, %swap3A_363], %mul3A_361 {strides = array<i32>} : memref<128x128xf32, #tpu.memory_space<vmem>>, vector<16xf32>,
        %mul3A_365 = arith.constant 2 : i32
        %mul3A_366 = arith.muli %mul3A_365, %scan3A_239 : i32
        %add3A_367 = arith.constant 1 : i32
        %add3A_368 = arith.addi %mul3A_366, %add3A_367 : i32
        %get3A_369 = arith.index_cast %add3A_368 : i32 to index
        %get3A_370 = arith.constant 0 : index
        %get3A_371 = tpu.vector_load %arg21[%get3A_369, %get3A_370] {strides = array<i32>} : memref<128x128xf32, #tpu.memory_space<vmem>>, vector<16xf32>,
        %broadcast_in_dim3A_372 = arith.constant 8 : i32
        %broadcast_in_dim3A_373 = vector.broadcast %broadcast_in_dim3A_372 : i32 to vector<16x1xi32>
        %gather3A_374 = vector.shape_cast %broadcast_in_dim3A_373 : vector<16x1xi32> to vector<16xi32>
        %gather3A_375 = tpu.dynamic_gather %gather3A[%gather3A_374] in [0] : vector<16xf32>, vector<16xi32> -> vector<16xf32>
        %mul3A_376 = arith.mulf %get3A_371, %gather3A_375 : vector<16xf32>
        %swap3A_377 = arith.index_cast %add3A_368 : i32 to index
        %swap3A_378 = arith.constant 0 : index
        %swap3A_379 = tpu.vector_load %arg21[%swap3A_377, %swap3A_378] {strides = array<i32>} : memref<128x128xf32, #tpu.memory_space<vmem>>, vector<16xf32>,
        tpu.vector_store %arg21[%swap3A_377, %swap3A_378], %mul3A_376 {strides = array<i32>} : memref<128x128xf32, #tpu.memory_space<vmem>>, vector<16xf32>,
        %mul3A_380 = arith.constant 2 : i32
        %mul3A_381 = arith.muli %mul3A_380, %scan3A_239 : i32
        %add3A_382 = arith.constant 1 : i32
        %add3A_383 = arith.addi %mul3A_381, %add3A_382 : i32
        %get3A_384 = arith.index_cast %add3A_383 : i32 to index
        %get3A_385 = arith.constant 16 : index
        %get3A_386 = tpu.vector_load %arg21[%get3A_384, %get3A_385] {strides = array<i32>} : memref<128x128xf32, #tpu.memory_space<vmem>>, vector<16xf32>,
        %broadcast_in_dim3A_387 = arith.constant 9 : i32
        %broadcast_in_dim3A_388 = vector.broadcast %broadcast_in_dim3A_387 : i32 to vector<16x1xi32>
        %gather3A_389 = vector.shape_cast %broadcast_in_dim3A_388 : vector<16x1xi32> to vector<16xi32>
        %gather3A_390 = tpu.dynamic_gather %gather3A[%gather3A_389] in [0] : vector<16xf32>, vector<16xi32> -> vector<16xf32>
        %mul3A_391 = arith.mulf %get3A_386, %gather3A_390 : vector<16xf32>
        %swap3A_392 = arith.index_cast %add3A_383 : i32 to index
        %swap3A_393 = arith.constant 16 : index
        %swap3A_394 = tpu.vector_load %arg21[%swap3A_392, %swap3A_393] {strides = array<i32>} : memref<128x128xf32, #tpu.memory_space<vmem>>, vector<16xf32>,
        tpu.vector_store %arg21[%swap3A_392, %swap3A_393], %mul3A_391 {strides = array<i32>} : memref<128x128xf32, #tpu.memory_space<vmem>>, vector<16xf32>,
        %mul3A_395 = arith.constant 2 : i32
        %mul3A_396 = arith.muli %mul3A_395, %scan3A_239 : i32
        %add3A_397 = arith.constant 1 : i32
        %add3A_398 = arith.addi %mul3A_396, %add3A_397 : i32
        %get3A_399 = arith.index_cast %add3A_398 : i32 to index
        %get3A_400 = arith.constant 32 : index
        %get3A_401 = tpu.vector_load %arg21[%get3A_399, %get3A_400] {strides = array<i32>} : memref<128x128xf32, #tpu.memory_space<vmem>>, vector<16xf32>,
        %broadcast_in_dim3A_402 = arith.constant 10 : i32
        %broadcast_in_dim3A_403 = vector.broadcast %broadcast_in_dim3A_402 : i32 to vector<16x1xi32>
        %gather3A_404 = vector.shape_cast %broadcast_in_dim3A_403 : vector<16x1xi32> to vector<16xi32>
        %gather3A_405 = tpu.dynamic_gather %gather3A[%gather3A_404] in [0] : vector<16xf32>, vector<16xi32> -> vector<16xf32>
        %mul3A_406 = arith.mulf %get3A_401, %gather3A_405 : vector<16xf32>
        %swap3A_407 = arith.index_cast %add3A_398 : i32 to index
        %swap3A_408 = arith.constant 32 : index
        %swap3A_409 = tpu.vector_load %arg21[%swap3A_407, %swap3A_408] {strides = array<i32>} : memref<128x128xf32, #tpu.memory_space<vmem>>, vector<16xf32>,
        tpu.vector_store %arg21[%swap3A_407, %swap3A_408], %mul3A_406 {strides = array<i32>} : memref<128x128xf32, #tpu.memory_space<vmem>>, vector<16xf32>,
        %mul3A_410 = arith.constant 2 : i32
        %mul3A_411 = arith.muli %mul3A_410, %scan3A_239 : i32
        %add3A_412 = arith.constant 1 : i32
        %add3A_413 = arith.addi %mul3A_411, %add3A_412 : i32
        %get3A_414 = arith.index_cast %add3A_413 : i32 to index
        %get3A_415 = arith.constant 48 : index
        %get3A_416 = tpu.vector_load %arg21[%get3A_414, %get3A_415] {strides = array<i32>} : memref<128x128xf32, #tpu.memory_space<vmem>>, vector<16xf32>,
        %broadcast_in_dim3A_417 = arith.constant 11 : i32
        %broadcast_in_dim3A_418 = vector.broadcast %broadcast_in_dim3A_417 : i32 to vector<16x1xi32>
        %gather3A_419 = vector.shape_cast %broadcast_in_dim3A_418 : vector<16x1xi32> to vector<16xi32>
        %gather3A_420 = tpu.dynamic_gather %gather3A[%gather3A_419] in [0] : vector<16xf32>, vector<16xi32> -> vector<16xf32>
        %mul3A_421 = arith.mulf %get3A_416, %gather3A_420 : vector<16xf32>
        %swap3A_422 = arith.index_cast %add3A_413 : i32 to index
        %swap3A_423 = arith.constant 48 : index
        %swap3A_424 = tpu.vector_load %arg21[%swap3A_422, %swap3A_423] {strides = array<i32>} : memref<128x128xf32, #tpu.memory_space<vmem>>, vector<16xf32>,
        tpu.vector_store %arg21[%swap3A_422, %swap3A_423], %mul3A_421 {strides = array<i32>} : memref<128x128xf32, #tpu.memory_space<vmem>>, vector<16xf32>,
        %mul3A_425 = arith.constant 2 : i32
        %mul3A_426 = arith.muli %mul3A_425, %scan3A_239 : i32
        %add3A_427 = arith.constant 1 : i32
        %add3A_428 = arith.addi %mul3A_426, %add3A_427 : i32
        %get3A_429 = arith.index_cast %add3A_428 : i32 to index
        %get3A_430 = arith.constant 64 : index
        %get3A_431 = tpu.vector_load %arg21[%get3A_429, %get3A_430] {strides = array<i32>} : memref<128x128xf32, #tpu.memory_space<vmem>>, vector<16xf32>,
        %broadcast_in_dim3A_432 = arith.constant 12 : i32
        %broadcast_in_dim3A_433 = vector.broadcast %broadcast_in_dim3A_432 : i32 to vector<16x1xi32>
        %gather3A_434 = vector.shape_cast %broadcast_in_dim3A_433 : vector<16x1xi32> to vector<16xi32>
        %gather3A_435 = tpu.dynamic_gather %gather3A[%gather3A_434] in [0] : vector<16xf32>, vector<16xi32> -> vector<16xf32>
        %mul3A_436 = arith.mulf %get3A_431, %gather3A_435 : vector<16xf32>
        %swap3A_437 = arith.index_cast %add3A_428 : i32 to index
        %swap3A_438 = arith.constant 64 : index
        %swap3A_439 = tpu.vector_load %arg21[%swap3A_437, %swap3A_438] {strides = array<i32>} : memref<128x128xf32, #tpu.memory_space<vmem>>, vector<16xf32>,
        tpu.vector_store %arg21[%swap3A_437, %swap3A_438], %mul3A_436 {strides = array<i32>} : memref<128x128xf32, #tpu.memory_space<vmem>>, vector<16xf32>,
        %mul3A_440 = arith.constant 2 : i32
        %mul3A_441 = arith.muli %mul3A_440, %scan3A_239 : i32
        %add3A_442 = arith.constant 1 : i32
        %add3A_443 = arith.addi %mul3A_441, %add3A_442 : i32
        %get3A_444 = arith.index_cast %add3A_443 : i32 to index
        %get3A_445 = arith.constant 80 : index
        %get3A_446 = tpu.vector_load %arg21[%get3A_444, %get3A_445] {strides = array<i32>} : memref<128x128xf32, #tpu.memory_space<vmem>>, vector<16xf32>,
        %broadcast_in_dim3A_447 = arith.constant 13 : i32
        %broadcast_in_dim3A_448 = vector.broadcast %broadcast_in_dim3A_447 : i32 to vector<16x1xi32>
        %gather3A_449 = vector.shape_cast %broadcast_in_dim3A_448 : vector<16x1xi32> to vector<16xi32>
        %gather3A_450 = tpu.dynamic_gather %gather3A[%gather3A_449] in [0] : vector<16xf32>, vector<16xi32> -> vector<16xf32>
        %mul3A_451 = arith.mulf %get3A_446, %gather3A_450 : vector<16xf32>
        %swap3A_452 = arith.index_cast %add3A_443 : i32 to index
        %swap3A_453 = arith.constant 80 : index
        %swap3A_454 = tpu.vector_load %arg21[%swap3A_452, %swap3A_453] {strides = array<i32>} : memref<128x128xf32, #tpu.memory_space<vmem>>, vector<16xf32>,
        tpu.vector_store %arg21[%swap3A_452, %swap3A_453], %mul3A_451 {strides = array<i32>} : memref<128x128xf32, #tpu.memory_space<vmem>>, vector<16xf32>,
        %mul3A_455 = arith.constant 2 : i32
        %mul3A_456 = arith.muli %mul3A_455, %scan3A_239 : i32
        %add3A_457 = arith.constant 1 : i32
        %add3A_458 = arith.addi %mul3A_456, %add3A_457 : i32
        %get3A_459 = arith.index_cast %add3A_458 : i32 to index
        %get3A_460 = arith.constant 96 : index
        %get3A_461 = tpu.vector_load %arg21[%get3A_459, %get3A_460] {strides = array<i32>} : memref<128x128xf32, #tpu.memory_space<vmem>>, vector<16xf32>,
        %broadcast_in_dim3A_462 = arith.constant 14 : i32
        %broadcast_in_dim3A_463 = vector.broadcast %broadcast_in_dim3A_462 : i32 to vector<16x1xi32>
        %gather3A_464 = vector.shape_cast %broadcast_in_dim3A_463 : vector<16x1xi32> to vector<16xi32>
        %gather3A_465 = tpu.dynamic_gather %gather3A[%gather3A_464] in [0] : vector<16xf32>, vector<16xi32> -> vector<16xf32>
        %mul3A_466 = arith.mulf %get3A_461, %gather3A_465 : vector<16xf32>
        %swap3A_467 = arith.index_cast %add3A_458 : i32 to index
        %swap3A_468 = arith.constant 96 : index
        %swap3A_469 = tpu.vector_load %arg21[%swap3A_467, %swap3A_468] {strides = array<i32>} : memref<128x128xf32, #tpu.memory_space<vmem>>, vector<16xf32>,
        tpu.vector_store %arg21[%swap3A_467, %swap3A_468], %mul3A_466 {strides = array<i32>} : memref<128x128xf32, #tpu.memory_space<vmem>>, vector<16xf32>,
        %mul3A_470 = arith.constant 2 : i32
        %mul3A_471 = arith.muli %mul3A_470, %scan3A_239 : i32
        %add3A_472 = arith.constant 1 : i32
        %add3A_473 = arith.addi %mul3A_471, %add3A_472 : i32
        %get3A_474 = arith.index_cast %add3A_473 : i32 to index
        %get3A_475 = arith.constant 112 : index
        %get3A_476 = tpu.vector_load %arg21[%get3A_474, %get3A_475] {strides = array<i32>} : memref<128x128xf32, #tpu.memory_space<vmem>>, vector<16xf32>,
        %broadcast_in_dim3A_477 = arith.constant 15 : i32
        %broadcast_in_dim3A_478 = vector.broadcast %broadcast_in_dim3A_477 : i32 to vector<16x1xi32>
        %gather3A_479 = vector.shape_cast %broadcast_in_dim3A_478 : vector<16x1xi32> to vector<16xi32>
        %gather3A_480 = tpu.dynamic_gather %gather3A[%gather3A_479] in [0] : vector<16xf32>, vector<16xi32> -> vector<16xf32>
        %mul3A_481 = arith.mulf %get3A_476, %gather3A_480 : vector<16xf32>
        %swap3A_482 = arith.index_cast %add3A_473 : i32 to index
        %swap3A_483 = arith.constant 112 : index
        %swap3A_484 = tpu.vector_load %arg21[%swap3A_482, %swap3A_483] {strides = array<i32>} : memref<128x128xf32, #tpu.memory_space<vmem>>, vector<16xf32>,
        tpu.vector_store %arg21[%swap3A_482, %swap3A_483], %mul3A_481 {strides = array<i32>} : memref<128x128xf32, #tpu.memory_space<vmem>>, vector<16xf32>,
        %scan3A_485 = arith.constant 0 : i32
        scf.yield %scan3A_485 : i32
      }
      %scan3A_187 = arith.constant 64 : i32
      %dma_start3A_188 = arith.constant 0 : i32
      %dma_start3A_189 = arith.constant 0 : i32
      %dma_start3A_190 = tpu.memref_slice %arg23[%dma_start3A_188, %dma_start3A_189] : memref<10240x128xf32, #tpu.memory_space<vmem_shared>> -> memref<10240x128xf32, #tpu.memory_space<vmem_shared>>
      tpu.enqueue_indirect_dma source(%arg21 : memref<128x128xf32, #tpu.memory_space<vmem>>) target(%dma_start3A_190 : memref<10240x128xf32, #tpu.memory_space<vmem_shared>>) offsets(%arg11 : memref<128xi32, #tpu.memory_space<vmem>>) semaphore(%arg35 : memref<!tpu.dma_semaphore, #tpu.memory_space<semaphore_mem>>) {add = true}
      %dma_wait3A_191 = arith.constant 0 : i32
      %dma_wait3A_192 = arith.constant 0 : i32
      %dma_wait3A_193 = tpu.memref_slice %arg4[%dma_wait3A_191, %dma_wait3A_192] : memref<10240x8xf32, #tpu.memory_space<hbm>> -> memref<10240x8xf32, #tpu.memory_space<hbm>>
      tpu.wait_indirect_dma semaphore(%arg26 : memref<!tpu.dma_semaphore, #tpu.memory_space<semaphore_mem>>) src(%dma_wait3A_193 : memref<10240x8xf32, #tpu.memory_space<hbm>>) dst(%arg14 : memref<128x8xf32, #tpu.memory_space<vmem>>)
      %dma_wait3A_194 = arith.constant 128 : i32
      %dma_wait3A_195 = tpu.memref_slice %arg9[%dma_wait3A_194] : memref<256xi32, #tpu.memory_space<vmem>> -> memref<128xi32, #tpu.memory_space<vmem>>
      %dma_wait3A_196 = arith.constant 0 : i32
      %dma_wait3A_197 = arith.constant 0 : i32
      %dma_wait3A_198 = tpu.memref_slice %arg4[%dma_wait3A_196, %dma_wait3A_197] : memref<10240x8xf32, #tpu.memory_space<hbm>> -> memref<10240x8xf32, #tpu.memory_space<hbm>>
      tpu.wait_indirect_dma semaphore(%arg28 : memref<!tpu.dma_semaphore, #tpu.memory_space<semaphore_mem>>) src(%dma_wait3A_198 : memref<10240x8xf32, #tpu.memory_space<hbm>>) dst(%arg16 : memref<128x8xf32, #tpu.memory_space<vmem>>)
      %dma_wait3A_199 = tpu.memref_slice %arg5[%mul3A_154] : memref<2686976xf32, #tpu.memory_space<hbm>> -> memref<1024xf32, #tpu.memory_space<hbm>>
      %dma_wait3A_200 = tpu.memref_slice %arg5[%mul3A_154] : memref<2686976xf32, #tpu.memory_space<hbm>> -> memref<1024xf32, #tpu.memory_space<hbm>>
      tpu.wait_dma2 semaphore(%arg30 : memref<!tpu.dma_semaphore, #tpu.memory_space<semaphore_mem>>) src(%dma_wait3A_200 : memref<1024xf32, #tpu.memory_space<hbm>>) dst(%arg18 : memref<1024xf32, #tpu.memory_space<vmem>>)
      %scan3A_201 = arith.constant 0 : i32
      %scan3A_202 = arith.constant 0 : i32
      %scan3A_203 = arith.constant 64 : i32
      %scan3A_204 = arith.addi %scan3A_202, %scan3A_203 : i32
      %scan3A_205 = arith.constant 1 : i32
      %scan3A_206 = scf.for %scan3A_239 = %scan3A_202 to %scan3A_204 step %scan3A_205 iter_args(%scan3A_240 = %scan3A_201) -> (i32)  : i32 {
        %mul3A_241 = arith.constant 2 : i32
        %mul3A_242 = arith.muli %mul3A_241, %scan3A_239 : i32
        %add3A_243 = vector.broadcast %mul3A_242 : i32 to vector<16xi32>
        %add3A_244 = arith.addi %add3A_243, %shift_right_logical3A_3 : vector<16xi32>
        %gather3A = tpu.vector_load_idx %arg14[%add3A_244, %and3A_1] : memref<128x8xf32, #tpu.memory_space<vmem>>[vector<16xi32>, vector<16xi32>], vector<16xf32>,
        %bitcast3A = vector.bitcast %gather3A : vector<16xf32> to vector<16xi32>
        %gather3A_245 = tpu.vector_load_idx %arg16[%add3A_244, %and3A_1] : memref<128x8xf32, #tpu.memory_space<vmem>>[vector<16xi32>, vector<16xi32>], vector<16xf32>,
        %bitcast3A_246 = vector.bitcast %gather3A_245 : vector<16xf32> to vector<16xi32>
        %shift_left3A = arith.constant 16 : i32
        %shift_left3A_247 = vector.broadcast %shift_left3A : i32 to vector<16xi32>
        %shift_left3A_248 = arith.shli %bitcast3A, %shift_left3A_247 : vector<16xi32>
        %bitcast3A_249 = vector.bitcast %shift_left3A_248 : vector<16xi32> to vector<16xf32>
        %and3A_250 = arith.andi %bitcast3A_246, %broadcast_in_dim3A_6 : vector<16xi32>
        %bitcast3A_251 = vector.bitcast %and3A_250 : vector<16xi32> to vector<16xf32>
        %mul3A_252 = arith.constant 16 : i32
        %mul3A_253 = arith.muli %scan3A_239, %mul3A_252 : i32
        %get3A_254 = arith.index_cast %mul3A_253 : i32 to index
        %get3A_255 = tpu.vector_load %arg18[%get3A_254] {strides = array<i32>} : memref<1024xf32, #tpu.memory_space<vmem>>, vector<16xf32>,
        %add3A_256 = arith.addf %bitcast3A_249, %bitcast3A_251 : vector<16xf32>
        %add3A_257 = arith.addf %add3A_256, %get3A_255 : vector<16xf32>
        %mul3A_258 = arith.constant 2.000000e-01 : f32
        %mul3A_259 = vector.broadcast %mul3A_258 : f32 to vector<16xf32>
        %mul3A_260 = arith.mulf %mul3A_259, %add3A_257 : vector<16xf32>
        %max3A = arith.maximumf %add3A_257, %mul3A_260 : vector<16xf32>
        %exp3A = math.exp %max3A : vector<16xf32>
        tpu.vector_store_idx %arg20[%add3A_244, %and3A_1], %exp3A : memref<128x8xf32, #tpu.memory_space<vmem>>[vector<16xi32>, vector<16xi32>], vector<16xf32>,
        %scan3A_261 = arith.constant 0 : i32
        scf.yield %scan3A_261 : i32
      }
      %scan3A_207 = arith.constant 64 : i32
      %dma_start3A_208 = arith.constant 0 : i32
      %dma_start3A_209 = arith.constant 0 : i32
      %dma_start3A_210 = tpu.memref_slice %arg24[%dma_start3A_208, %dma_start3A_209] : memref<10240x8xf32, #tpu.memory_space<vmem_shared>> -> memref<10240x8xf32, #tpu.memory_space<vmem_shared>>
      tpu.enqueue_indirect_dma source(%arg20 : memref<128x8xf32, #tpu.memory_space<vmem>>) target(%dma_start3A_210 : memref<10240x8xf32, #tpu.memory_space<vmem_shared>>) offsets(%arg12 : memref<128xi32, #tpu.memory_space<vmem>>) semaphore(%arg34 : memref<!tpu.dma_semaphore, #tpu.memory_space<semaphore_mem>>) {add = true}
      %dma_wait3A_211 = arith.constant 128 : i32
      %dma_wait3A_212 = tpu.memref_slice %arg9[%dma_wait3A_211] : memref<256xi32, #tpu.memory_space<vmem>> -> memref<128xi32, #tpu.memory_space<vmem>>
      %dma_wait3A_213 = arith.constant 0 : i32
      %dma_wait3A_214 = arith.constant 0 : i32
      %dma_wait3A_215 = tpu.memref_slice %arg6[%dma_wait3A_213, %dma_wait3A_214] : memref<10240x128xf32, #tpu.memory_space<hbm>> -> memref<10240x128xf32, #tpu.memory_space<hbm>>
      tpu.wait_indirect_dma semaphore(%arg32 : memref<!tpu.dma_semaphore, #tpu.memory_space<semaphore_mem>>) src(%dma_wait3A_215 : memref<10240x128xf32, #tpu.memory_space<hbm>>) dst(%arg22 : memref<128x128xf32, #tpu.memory_space<vmem>>)
      %scan3A_216 = arith.constant 0 : i32
      %scan3A_217 = arith.constant 0 : i32
      %scan3A_218 = arith.constant 64 : i32
      %scan3A_219 = arith.addi %scan3A_217, %scan3A_218 : i32
      %scan3A_220 = arith.constant 1 : i32
      %scan3A_221 = scf.for %scan3A_239 = %scan3A_217 to %scan3A_219 step %scan3A_220 iter_args(%scan3A_240 = %scan3A_216) -> (i32)  : i32 {
        %mul3A_241 = arith.constant 2 : i32
        %mul3A_242 = arith.muli %mul3A_241, %scan3A_239 : i32
        %add3A_243 = vector.broadcast %mul3A_242 : i32 to vector<16xi32>
        %add3A_244 = arith.addi %add3A_243, %shift_right_logical3A_3 : vector<16xi32>
        %gather3A = tpu.vector_load_idx %arg20[%add3A_244, %and3A_1] : memref<128x8xf32, #tpu.memory_space<vmem>>[vector<16xi32>, vector<16xi32>], vector<16xf32>,
        %mul3A_245 = arith.constant 2 : i32
        %mul3A_246 = arith.muli %mul3A_245, %scan3A_239 : i32
        %add3A_247 = arith.constant 0 : i32
        %add3A_248 = arith.addi %mul3A_246, %add3A_247 : i32
        %get3A_249 = arith.index_cast %add3A_248 : i32 to index
        %get3A_250 = arith.constant 0 : index
        %get3A_251 = tpu.vector_load %arg22[%get3A_249, %get3A_250] {strides = array<i32>} : memref<128x128xf32, #tpu.memory_space<vmem>>, vector<16xf32>,
        %broadcast_in_dim3A_252 = arith.constant 0 : i32
        %broadcast_in_dim3A_253 = vector.broadcast %broadcast_in_dim3A_252 : i32 to vector<16x1xi32>
        %gather3A_254 = vector.shape_cast %broadcast_in_dim3A_253 : vector<16x1xi32> to vector<16xi32>
        %gather3A_255 = tpu.dynamic_gather %gather3A[%gather3A_254] in [0] : vector<16xf32>, vector<16xi32> -> vector<16xf32>
        %mul3A_256 = arith.mulf %get3A_251, %gather3A_255 : vector<16xf32>
        %swap3A_257 = arith.index_cast %add3A_248 : i32 to index
        %swap3A_258 = arith.constant 0 : index
        %swap3A_259 = tpu.vector_load %arg22[%swap3A_257, %swap3A_258] {strides = array<i32>} : memref<128x128xf32, #tpu.memory_space<vmem>>, vector<16xf32>,
        tpu.vector_store %arg22[%swap3A_257, %swap3A_258], %mul3A_256 {strides = array<i32>} : memref<128x128xf32, #tpu.memory_space<vmem>>, vector<16xf32>,
        %mul3A_260 = arith.constant 2 : i32
        %mul3A_261 = arith.muli %mul3A_260, %scan3A_239 : i32
        %add3A_262 = arith.constant 0 : i32
        %add3A_263 = arith.addi %mul3A_261, %add3A_262 : i32
        %get3A_264 = arith.index_cast %add3A_263 : i32 to index
        %get3A_265 = arith.constant 16 : index
        %get3A_266 = tpu.vector_load %arg22[%get3A_264, %get3A_265] {strides = array<i32>} : memref<128x128xf32, #tpu.memory_space<vmem>>, vector<16xf32>,
        %broadcast_in_dim3A_267 = arith.constant 1 : i32
        %broadcast_in_dim3A_268 = vector.broadcast %broadcast_in_dim3A_267 : i32 to vector<16x1xi32>
        %gather3A_269 = vector.shape_cast %broadcast_in_dim3A_268 : vector<16x1xi32> to vector<16xi32>
        %gather3A_270 = tpu.dynamic_gather %gather3A[%gather3A_269] in [0] : vector<16xf32>, vector<16xi32> -> vector<16xf32>
        %mul3A_271 = arith.mulf %get3A_266, %gather3A_270 : vector<16xf32>
        %swap3A_272 = arith.index_cast %add3A_263 : i32 to index
        %swap3A_273 = arith.constant 16 : index
        %swap3A_274 = tpu.vector_load %arg22[%swap3A_272, %swap3A_273] {strides = array<i32>} : memref<128x128xf32, #tpu.memory_space<vmem>>, vector<16xf32>,
        tpu.vector_store %arg22[%swap3A_272, %swap3A_273], %mul3A_271 {strides = array<i32>} : memref<128x128xf32, #tpu.memory_space<vmem>>, vector<16xf32>,
        %mul3A_275 = arith.constant 2 : i32
        %mul3A_276 = arith.muli %mul3A_275, %scan3A_239 : i32
        %add3A_277 = arith.constant 0 : i32
        %add3A_278 = arith.addi %mul3A_276, %add3A_277 : i32
        %get3A_279 = arith.index_cast %add3A_278 : i32 to index
        %get3A_280 = arith.constant 32 : index
        %get3A_281 = tpu.vector_load %arg22[%get3A_279, %get3A_280] {strides = array<i32>} : memref<128x128xf32, #tpu.memory_space<vmem>>, vector<16xf32>,
        %broadcast_in_dim3A_282 = arith.constant 2 : i32
        %broadcast_in_dim3A_283 = vector.broadcast %broadcast_in_dim3A_282 : i32 to vector<16x1xi32>
        %gather3A_284 = vector.shape_cast %broadcast_in_dim3A_283 : vector<16x1xi32> to vector<16xi32>
        %gather3A_285 = tpu.dynamic_gather %gather3A[%gather3A_284] in [0] : vector<16xf32>, vector<16xi32> -> vector<16xf32>
        %mul3A_286 = arith.mulf %get3A_281, %gather3A_285 : vector<16xf32>
        %swap3A_287 = arith.index_cast %add3A_278 : i32 to index
        %swap3A_288 = arith.constant 32 : index
        %swap3A_289 = tpu.vector_load %arg22[%swap3A_287, %swap3A_288] {strides = array<i32>} : memref<128x128xf32, #tpu.memory_space<vmem>>, vector<16xf32>,
        tpu.vector_store %arg22[%swap3A_287, %swap3A_288], %mul3A_286 {strides = array<i32>} : memref<128x128xf32, #tpu.memory_space<vmem>>, vector<16xf32>,
        %mul3A_290 = arith.constant 2 : i32
        %mul3A_291 = arith.muli %mul3A_290, %scan3A_239 : i32
        %add3A_292 = arith.constant 0 : i32
        %add3A_293 = arith.addi %mul3A_291, %add3A_292 : i32
        %get3A_294 = arith.index_cast %add3A_293 : i32 to index
        %get3A_295 = arith.constant 48 : index
        %get3A_296 = tpu.vector_load %arg22[%get3A_294, %get3A_295] {strides = array<i32>} : memref<128x128xf32, #tpu.memory_space<vmem>>, vector<16xf32>,
        %broadcast_in_dim3A_297 = arith.constant 3 : i32
        %broadcast_in_dim3A_298 = vector.broadcast %broadcast_in_dim3A_297 : i32 to vector<16x1xi32>
        %gather3A_299 = vector.shape_cast %broadcast_in_dim3A_298 : vector<16x1xi32> to vector<16xi32>
        %gather3A_300 = tpu.dynamic_gather %gather3A[%gather3A_299] in [0] : vector<16xf32>, vector<16xi32> -> vector<16xf32>
        %mul3A_301 = arith.mulf %get3A_296, %gather3A_300 : vector<16xf32>
        %swap3A_302 = arith.index_cast %add3A_293 : i32 to index
        %swap3A_303 = arith.constant 48 : index
        %swap3A_304 = tpu.vector_load %arg22[%swap3A_302, %swap3A_303] {strides = array<i32>} : memref<128x128xf32, #tpu.memory_space<vmem>>, vector<16xf32>,
        tpu.vector_store %arg22[%swap3A_302, %swap3A_303], %mul3A_301 {strides = array<i32>} : memref<128x128xf32, #tpu.memory_space<vmem>>, vector<16xf32>,
        %mul3A_305 = arith.constant 2 : i32
        %mul3A_306 = arith.muli %mul3A_305, %scan3A_239 : i32
        %add3A_307 = arith.constant 0 : i32
        %add3A_308 = arith.addi %mul3A_306, %add3A_307 : i32
        %get3A_309 = arith.index_cast %add3A_308 : i32 to index
        %get3A_310 = arith.constant 64 : index
        %get3A_311 = tpu.vector_load %arg22[%get3A_309, %get3A_310] {strides = array<i32>} : memref<128x128xf32, #tpu.memory_space<vmem>>, vector<16xf32>,
        %broadcast_in_dim3A_312 = arith.constant 4 : i32
        %broadcast_in_dim3A_313 = vector.broadcast %broadcast_in_dim3A_312 : i32 to vector<16x1xi32>
        %gather3A_314 = vector.shape_cast %broadcast_in_dim3A_313 : vector<16x1xi32> to vector<16xi32>
        %gather3A_315 = tpu.dynamic_gather %gather3A[%gather3A_314] in [0] : vector<16xf32>, vector<16xi32> -> vector<16xf32>
        %mul3A_316 = arith.mulf %get3A_311, %gather3A_315 : vector<16xf32>
        %swap3A_317 = arith.index_cast %add3A_308 : i32 to index
        %swap3A_318 = arith.constant 64 : index
        %swap3A_319 = tpu.vector_load %arg22[%swap3A_317, %swap3A_318] {strides = array<i32>} : memref<128x128xf32, #tpu.memory_space<vmem>>, vector<16xf32>,
        tpu.vector_store %arg22[%swap3A_317, %swap3A_318], %mul3A_316 {strides = array<i32>} : memref<128x128xf32, #tpu.memory_space<vmem>>, vector<16xf32>,
        %mul3A_320 = arith.constant 2 : i32
        %mul3A_321 = arith.muli %mul3A_320, %scan3A_239 : i32
        %add3A_322 = arith.constant 0 : i32
        %add3A_323 = arith.addi %mul3A_321, %add3A_322 : i32
        %get3A_324 = arith.index_cast %add3A_323 : i32 to index
        %get3A_325 = arith.constant 80 : index
        %get3A_326 = tpu.vector_load %arg22[%get3A_324, %get3A_325] {strides = array<i32>} : memref<128x128xf32, #tpu.memory_space<vmem>>, vector<16xf32>,
        %broadcast_in_dim3A_327 = arith.constant 5 : i32
        %broadcast_in_dim3A_328 = vector.broadcast %broadcast_in_dim3A_327 : i32 to vector<16x1xi32>
        %gather3A_329 = vector.shape_cast %broadcast_in_dim3A_328 : vector<16x1xi32> to vector<16xi32>
        %gather3A_330 = tpu.dynamic_gather %gather3A[%gather3A_329] in [0] : vector<16xf32>, vector<16xi32> -> vector<16xf32>
        %mul3A_331 = arith.mulf %get3A_326, %gather3A_330 : vector<16xf32>
        %swap3A_332 = arith.index_cast %add3A_323 : i32 to index
        %swap3A_333 = arith.constant 80 : index
        %swap3A_334 = tpu.vector_load %arg22[%swap3A_332, %swap3A_333] {strides = array<i32>} : memref<128x128xf32, #tpu.memory_space<vmem>>, vector<16xf32>,
        tpu.vector_store %arg22[%swap3A_332, %swap3A_333], %mul3A_331 {strides = array<i32>} : memref<128x128xf32, #tpu.memory_space<vmem>>, vector<16xf32>,
        %mul3A_335 = arith.constant 2 : i32
        %mul3A_336 = arith.muli %mul3A_335, %scan3A_239 : i32
        %add3A_337 = arith.constant 0 : i32
        %add3A_338 = arith.addi %mul3A_336, %add3A_337 : i32
        %get3A_339 = arith.index_cast %add3A_338 : i32 to index
        %get3A_340 = arith.constant 96 : index
        %get3A_341 = tpu.vector_load %arg22[%get3A_339, %get3A_340] {strides = array<i32>} : memref<128x128xf32, #tpu.memory_space<vmem>>, vector<16xf32>,
        %broadcast_in_dim3A_342 = arith.constant 6 : i32
        %broadcast_in_dim3A_343 = vector.broadcast %broadcast_in_dim3A_342 : i32 to vector<16x1xi32>
        %gather3A_344 = vector.shape_cast %broadcast_in_dim3A_343 : vector<16x1xi32> to vector<16xi32>
        %gather3A_345 = tpu.dynamic_gather %gather3A[%gather3A_344] in [0] : vector<16xf32>, vector<16xi32> -> vector<16xf32>
        %mul3A_346 = arith.mulf %get3A_341, %gather3A_345 : vector<16xf32>
        %swap3A_347 = arith.index_cast %add3A_338 : i32 to index
        %swap3A_348 = arith.constant 96 : index
        %swap3A_349 = tpu.vector_load %arg22[%swap3A_347, %swap3A_348] {strides = array<i32>} : memref<128x128xf32, #tpu.memory_space<vmem>>, vector<16xf32>,
        tpu.vector_store %arg22[%swap3A_347, %swap3A_348], %mul3A_346 {strides = array<i32>} : memref<128x128xf32, #tpu.memory_space<vmem>>, vector<16xf32>,
        %mul3A_350 = arith.constant 2 : i32
        %mul3A_351 = arith.muli %mul3A_350, %scan3A_239 : i32
        %add3A_352 = arith.constant 0 : i32
        %add3A_353 = arith.addi %mul3A_351, %add3A_352 : i32
        %get3A_354 = arith.index_cast %add3A_353 : i32 to index
        %get3A_355 = arith.constant 112 : index
        %get3A_356 = tpu.vector_load %arg22[%get3A_354, %get3A_355] {strides = array<i32>} : memref<128x128xf32, #tpu.memory_space<vmem>>, vector<16xf32>,
        %broadcast_in_dim3A_357 = arith.constant 7 : i32
        %broadcast_in_dim3A_358 = vector.broadcast %broadcast_in_dim3A_357 : i32 to vector<16x1xi32>
        %gather3A_359 = vector.shape_cast %broadcast_in_dim3A_358 : vector<16x1xi32> to vector<16xi32>
        %gather3A_360 = tpu.dynamic_gather %gather3A[%gather3A_359] in [0] : vector<16xf32>, vector<16xi32> -> vector<16xf32>
        %mul3A_361 = arith.mulf %get3A_356, %gather3A_360 : vector<16xf32>
        %swap3A_362 = arith.index_cast %add3A_353 : i32 to index
        %swap3A_363 = arith.constant 112 : index
        %swap3A_364 = tpu.vector_load %arg22[%swap3A_362, %swap3A_363] {strides = array<i32>} : memref<128x128xf32, #tpu.memory_space<vmem>>, vector<16xf32>,
        tpu.vector_store %arg22[%swap3A_362, %swap3A_363], %mul3A_361 {strides = array<i32>} : memref<128x128xf32, #tpu.memory_space<vmem>>, vector<16xf32>,
        %mul3A_365 = arith.constant 2 : i32
        %mul3A_366 = arith.muli %mul3A_365, %scan3A_239 : i32
        %add3A_367 = arith.constant 1 : i32
        %add3A_368 = arith.addi %mul3A_366, %add3A_367 : i32
        %get3A_369 = arith.index_cast %add3A_368 : i32 to index
        %get3A_370 = arith.constant 0 : index
        %get3A_371 = tpu.vector_load %arg22[%get3A_369, %get3A_370] {strides = array<i32>} : memref<128x128xf32, #tpu.memory_space<vmem>>, vector<16xf32>,
        %broadcast_in_dim3A_372 = arith.constant 8 : i32
        %broadcast_in_dim3A_373 = vector.broadcast %broadcast_in_dim3A_372 : i32 to vector<16x1xi32>
        %gather3A_374 = vector.shape_cast %broadcast_in_dim3A_373 : vector<16x1xi32> to vector<16xi32>
        %gather3A_375 = tpu.dynamic_gather %gather3A[%gather3A_374] in [0] : vector<16xf32>, vector<16xi32> -> vector<16xf32>
        %mul3A_376 = arith.mulf %get3A_371, %gather3A_375 : vector<16xf32>
        %swap3A_377 = arith.index_cast %add3A_368 : i32 to index
        %swap3A_378 = arith.constant 0 : index
        %swap3A_379 = tpu.vector_load %arg22[%swap3A_377, %swap3A_378] {strides = array<i32>} : memref<128x128xf32, #tpu.memory_space<vmem>>, vector<16xf32>,
        tpu.vector_store %arg22[%swap3A_377, %swap3A_378], %mul3A_376 {strides = array<i32>} : memref<128x128xf32, #tpu.memory_space<vmem>>, vector<16xf32>,
        %mul3A_380 = arith.constant 2 : i32
        %mul3A_381 = arith.muli %mul3A_380, %scan3A_239 : i32
        %add3A_382 = arith.constant 1 : i32
        %add3A_383 = arith.addi %mul3A_381, %add3A_382 : i32
        %get3A_384 = arith.index_cast %add3A_383 : i32 to index
        %get3A_385 = arith.constant 16 : index
        %get3A_386 = tpu.vector_load %arg22[%get3A_384, %get3A_385] {strides = array<i32>} : memref<128x128xf32, #tpu.memory_space<vmem>>, vector<16xf32>,
        %broadcast_in_dim3A_387 = arith.constant 9 : i32
        %broadcast_in_dim3A_388 = vector.broadcast %broadcast_in_dim3A_387 : i32 to vector<16x1xi32>
        %gather3A_389 = vector.shape_cast %broadcast_in_dim3A_388 : vector<16x1xi32> to vector<16xi32>
        %gather3A_390 = tpu.dynamic_gather %gather3A[%gather3A_389] in [0] : vector<16xf32>, vector<16xi32> -> vector<16xf32>
        %mul3A_391 = arith.mulf %get3A_386, %gather3A_390 : vector<16xf32>
        %swap3A_392 = arith.index_cast %add3A_383 : i32 to index
        %swap3A_393 = arith.constant 16 : index
        %swap3A_394 = tpu.vector_load %arg22[%swap3A_392, %swap3A_393] {strides = array<i32>} : memref<128x128xf32, #tpu.memory_space<vmem>>, vector<16xf32>,
        tpu.vector_store %arg22[%swap3A_392, %swap3A_393], %mul3A_391 {strides = array<i32>} : memref<128x128xf32, #tpu.memory_space<vmem>>, vector<16xf32>,
        %mul3A_395 = arith.constant 2 : i32
        %mul3A_396 = arith.muli %mul3A_395, %scan3A_239 : i32
        %add3A_397 = arith.constant 1 : i32
        %add3A_398 = arith.addi %mul3A_396, %add3A_397 : i32
        %get3A_399 = arith.index_cast %add3A_398 : i32 to index
        %get3A_400 = arith.constant 32 : index
        %get3A_401 = tpu.vector_load %arg22[%get3A_399, %get3A_400] {strides = array<i32>} : memref<128x128xf32, #tpu.memory_space<vmem>>, vector<16xf32>,
        %broadcast_in_dim3A_402 = arith.constant 10 : i32
        %broadcast_in_dim3A_403 = vector.broadcast %broadcast_in_dim3A_402 : i32 to vector<16x1xi32>
        %gather3A_404 = vector.shape_cast %broadcast_in_dim3A_403 : vector<16x1xi32> to vector<16xi32>
        %gather3A_405 = tpu.dynamic_gather %gather3A[%gather3A_404] in [0] : vector<16xf32>, vector<16xi32> -> vector<16xf32>
        %mul3A_406 = arith.mulf %get3A_401, %gather3A_405 : vector<16xf32>
        %swap3A_407 = arith.index_cast %add3A_398 : i32 to index
        %swap3A_408 = arith.constant 32 : index
        %swap3A_409 = tpu.vector_load %arg22[%swap3A_407, %swap3A_408] {strides = array<i32>} : memref<128x128xf32, #tpu.memory_space<vmem>>, vector<16xf32>,
        tpu.vector_store %arg22[%swap3A_407, %swap3A_408], %mul3A_406 {strides = array<i32>} : memref<128x128xf32, #tpu.memory_space<vmem>>, vector<16xf32>,
        %mul3A_410 = arith.constant 2 : i32
        %mul3A_411 = arith.muli %mul3A_410, %scan3A_239 : i32
        %add3A_412 = arith.constant 1 : i32
        %add3A_413 = arith.addi %mul3A_411, %add3A_412 : i32
        %get3A_414 = arith.index_cast %add3A_413 : i32 to index
        %get3A_415 = arith.constant 48 : index
        %get3A_416 = tpu.vector_load %arg22[%get3A_414, %get3A_415] {strides = array<i32>} : memref<128x128xf32, #tpu.memory_space<vmem>>, vector<16xf32>,
        %broadcast_in_dim3A_417 = arith.constant 11 : i32
        %broadcast_in_dim3A_418 = vector.broadcast %broadcast_in_dim3A_417 : i32 to vector<16x1xi32>
        %gather3A_419 = vector.shape_cast %broadcast_in_dim3A_418 : vector<16x1xi32> to vector<16xi32>
        %gather3A_420 = tpu.dynamic_gather %gather3A[%gather3A_419] in [0] : vector<16xf32>, vector<16xi32> -> vector<16xf32>
        %mul3A_421 = arith.mulf %get3A_416, %gather3A_420 : vector<16xf32>
        %swap3A_422 = arith.index_cast %add3A_413 : i32 to index
        %swap3A_423 = arith.constant 48 : index
        %swap3A_424 = tpu.vector_load %arg22[%swap3A_422, %swap3A_423] {strides = array<i32>} : memref<128x128xf32, #tpu.memory_space<vmem>>, vector<16xf32>,
        tpu.vector_store %arg22[%swap3A_422, %swap3A_423], %mul3A_421 {strides = array<i32>} : memref<128x128xf32, #tpu.memory_space<vmem>>, vector<16xf32>,
        %mul3A_425 = arith.constant 2 : i32
        %mul3A_426 = arith.muli %mul3A_425, %scan3A_239 : i32
        %add3A_427 = arith.constant 1 : i32
        %add3A_428 = arith.addi %mul3A_426, %add3A_427 : i32
        %get3A_429 = arith.index_cast %add3A_428 : i32 to index
        %get3A_430 = arith.constant 64 : index
        %get3A_431 = tpu.vector_load %arg22[%get3A_429, %get3A_430] {strides = array<i32>} : memref<128x128xf32, #tpu.memory_space<vmem>>, vector<16xf32>,
        %broadcast_in_dim3A_432 = arith.constant 12 : i32
        %broadcast_in_dim3A_433 = vector.broadcast %broadcast_in_dim3A_432 : i32 to vector<16x1xi32>
        %gather3A_434 = vector.shape_cast %broadcast_in_dim3A_433 : vector<16x1xi32> to vector<16xi32>
        %gather3A_435 = tpu.dynamic_gather %gather3A[%gather3A_434] in [0] : vector<16xf32>, vector<16xi32> -> vector<16xf32>
        %mul3A_436 = arith.mulf %get3A_431, %gather3A_435 : vector<16xf32>
        %swap3A_437 = arith.index_cast %add3A_428 : i32 to index
        %swap3A_438 = arith.constant 64 : index
        %swap3A_439 = tpu.vector_load %arg22[%swap3A_437, %swap3A_438] {strides = array<i32>} : memref<128x128xf32, #tpu.memory_space<vmem>>, vector<16xf32>,
        tpu.vector_store %arg22[%swap3A_437, %swap3A_438], %mul3A_436 {strides = array<i32>} : memref<128x128xf32, #tpu.memory_space<vmem>>, vector<16xf32>,
        %mul3A_440 = arith.constant 2 : i32
        %mul3A_441 = arith.muli %mul3A_440, %scan3A_239 : i32
        %add3A_442 = arith.constant 1 : i32
        %add3A_443 = arith.addi %mul3A_441, %add3A_442 : i32
        %get3A_444 = arith.index_cast %add3A_443 : i32 to index
        %get3A_445 = arith.constant 80 : index
        %get3A_446 = tpu.vector_load %arg22[%get3A_444, %get3A_445] {strides = array<i32>} : memref<128x128xf32, #tpu.memory_space<vmem>>, vector<16xf32>,
        %broadcast_in_dim3A_447 = arith.constant 13 : i32
        %broadcast_in_dim3A_448 = vector.broadcast %broadcast_in_dim3A_447 : i32 to vector<16x1xi32>
        %gather3A_449 = vector.shape_cast %broadcast_in_dim3A_448 : vector<16x1xi32> to vector<16xi32>
        %gather3A_450 = tpu.dynamic_gather %gather3A[%gather3A_449] in [0] : vector<16xf32>, vector<16xi32> -> vector<16xf32>
        %mul3A_451 = arith.mulf %get3A_446, %gather3A_450 : vector<16xf32>
        %swap3A_452 = arith.index_cast %add3A_443 : i32 to index
        %swap3A_453 = arith.constant 80 : index
        %swap3A_454 = tpu.vector_load %arg22[%swap3A_452, %swap3A_453] {strides = array<i32>} : memref<128x128xf32, #tpu.memory_space<vmem>>, vector<16xf32>,
        tpu.vector_store %arg22[%swap3A_452, %swap3A_453], %mul3A_451 {strides = array<i32>} : memref<128x128xf32, #tpu.memory_space<vmem>>, vector<16xf32>,
        %mul3A_455 = arith.constant 2 : i32
        %mul3A_456 = arith.muli %mul3A_455, %scan3A_239 : i32
        %add3A_457 = arith.constant 1 : i32
        %add3A_458 = arith.addi %mul3A_456, %add3A_457 : i32
        %get3A_459 = arith.index_cast %add3A_458 : i32 to index
        %get3A_460 = arith.constant 96 : index
        %get3A_461 = tpu.vector_load %arg22[%get3A_459, %get3A_460] {strides = array<i32>} : memref<128x128xf32, #tpu.memory_space<vmem>>, vector<16xf32>,
        %broadcast_in_dim3A_462 = arith.constant 14 : i32
        %broadcast_in_dim3A_463 = vector.broadcast %broadcast_in_dim3A_462 : i32 to vector<16x1xi32>
        %gather3A_464 = vector.shape_cast %broadcast_in_dim3A_463 : vector<16x1xi32> to vector<16xi32>
        %gather3A_465 = tpu.dynamic_gather %gather3A[%gather3A_464] in [0] : vector<16xf32>, vector<16xi32> -> vector<16xf32>
        %mul3A_466 = arith.mulf %get3A_461, %gather3A_465 : vector<16xf32>
        %swap3A_467 = arith.index_cast %add3A_458 : i32 to index
        %swap3A_468 = arith.constant 96 : index
        %swap3A_469 = tpu.vector_load %arg22[%swap3A_467, %swap3A_468] {strides = array<i32>} : memref<128x128xf32, #tpu.memory_space<vmem>>, vector<16xf32>,
        tpu.vector_store %arg22[%swap3A_467, %swap3A_468], %mul3A_466 {strides = array<i32>} : memref<128x128xf32, #tpu.memory_space<vmem>>, vector<16xf32>,
        %mul3A_470 = arith.constant 2 : i32
        %mul3A_471 = arith.muli %mul3A_470, %scan3A_239 : i32
        %add3A_472 = arith.constant 1 : i32
        %add3A_473 = arith.addi %mul3A_471, %add3A_472 : i32
        %get3A_474 = arith.index_cast %add3A_473 : i32 to index
        %get3A_475 = arith.constant 112 : index
        %get3A_476 = tpu.vector_load %arg22[%get3A_474, %get3A_475] {strides = array<i32>} : memref<128x128xf32, #tpu.memory_space<vmem>>, vector<16xf32>,
        %broadcast_in_dim3A_477 = arith.constant 15 : i32
        %broadcast_in_dim3A_478 = vector.broadcast %broadcast_in_dim3A_477 : i32 to vector<16x1xi32>
        %gather3A_479 = vector.shape_cast %broadcast_in_dim3A_478 : vector<16x1xi32> to vector<16xi32>
        %gather3A_480 = tpu.dynamic_gather %gather3A[%gather3A_479] in [0] : vector<16xf32>, vector<16xi32> -> vector<16xf32>
        %mul3A_481 = arith.mulf %get3A_476, %gather3A_480 : vector<16xf32>
        %swap3A_482 = arith.index_cast %add3A_473 : i32 to index
        %swap3A_483 = arith.constant 112 : index
        %swap3A_484 = tpu.vector_load %arg22[%swap3A_482, %swap3A_483] {strides = array<i32>} : memref<128x128xf32, #tpu.memory_space<vmem>>, vector<16xf32>,
        tpu.vector_store %arg22[%swap3A_482, %swap3A_483], %mul3A_481 {strides = array<i32>} : memref<128x128xf32, #tpu.memory_space<vmem>>, vector<16xf32>,
        %scan3A_485 = arith.constant 0 : i32
        scf.yield %scan3A_485 : i32
      }
      %scan3A_222 = arith.constant 64 : i32
      %dma_start3A_223 = arith.constant 0 : i32
      %dma_start3A_224 = arith.constant 0 : i32
      %dma_start3A_225 = tpu.memref_slice %arg23[%dma_start3A_223, %dma_start3A_224] : memref<10240x128xf32, #tpu.memory_space<vmem_shared>> -> memref<10240x128xf32, #tpu.memory_space<vmem_shared>>
      tpu.enqueue_indirect_dma source(%arg22 : memref<128x128xf32, #tpu.memory_space<vmem>>) target(%dma_start3A_225 : memref<10240x128xf32, #tpu.memory_space<vmem_shared>>) offsets(%arg12 : memref<128xi32, #tpu.memory_space<vmem>>) semaphore(%arg36 : memref<!tpu.dma_semaphore, #tpu.memory_space<semaphore_mem>>) {add = true}
      %dma_wait3A_226 = arith.constant 0 : i32
      %dma_wait3A_227 = arith.constant 0 : i32
      %dma_wait3A_228 = tpu.memref_slice %arg24[%dma_wait3A_226, %dma_wait3A_227] : memref<10240x8xf32, #tpu.memory_space<vmem_shared>> -> memref<10240x8xf32, #tpu.memory_space<vmem_shared>>
      tpu.wait_indirect_dma semaphore(%arg33 : memref<!tpu.dma_semaphore, #tpu.memory_space<semaphore_mem>>) src(%arg19 : memref<128x8xf32, #tpu.memory_space<vmem>>) dst(%dma_wait3A_228 : memref<10240x8xf32, #tpu.memory_space<vmem_shared>>)
      %dma_wait3A_229 = arith.constant 0 : i32
      %dma_wait3A_230 = arith.constant 0 : i32
      %dma_wait3A_231 = tpu.memref_slice %arg23[%dma_wait3A_229, %dma_wait3A_230] : memref<10240x128xf32, #tpu.memory_space<vmem_shared>> -> memref<10240x128xf32, #tpu.memory_space<vmem_shared>>
      tpu.wait_indirect_dma semaphore(%arg35 : memref<!tpu.dma_semaphore, #tpu.memory_space<semaphore_mem>>) src(%arg21 : memref<128x128xf32, #tpu.memory_space<vmem>>) dst(%dma_wait3A_231 : memref<10240x128xf32, #tpu.memory_space<vmem_shared>>)
      %dma_wait3A_232 = arith.constant 0 : i32
      %dma_wait3A_233 = arith.constant 0 : i32
      %dma_wait3A_234 = tpu.memref_slice %arg24[%dma_wait3A_232, %dma_wait3A_233] : memref<10240x8xf32, #tpu.memory_space<vmem_shared>> -> memref<10240x8xf32, #tpu.memory_space<vmem_shared>>
      tpu.wait_indirect_dma semaphore(%arg34 : memref<!tpu.dma_semaphore, #tpu.memory_space<semaphore_mem>>) src(%arg20 : memref<128x8xf32, #tpu.memory_space<vmem>>) dst(%dma_wait3A_234 : memref<10240x8xf32, #tpu.memory_space<vmem_shared>>)
      %dma_wait3A_235 = arith.constant 0 : i32
      %dma_wait3A_236 = arith.constant 0 : i32
      %dma_wait3A_237 = tpu.memref_slice %arg23[%dma_wait3A_235, %dma_wait3A_236] : memref<10240x128xf32, #tpu.memory_space<vmem_shared>> -> memref<10240x128xf32, #tpu.memory_space<vmem_shared>>
      tpu.wait_indirect_dma semaphore(%arg36 : memref<!tpu.dma_semaphore, #tpu.memory_space<semaphore_mem>>) src(%arg22 : memref<128x128xf32, #tpu.memory_space<vmem>>) dst(%dma_wait3A_237 : memref<10240x128xf32, #tpu.memory_space<vmem_shared>>)
      %scan3A_238 = arith.constant 0 : i32
      scf.yield %scan3A_238 : i32
    }
    %scan3A_49 = arith.constant 41 : i32
    %barrier3A_50 = arith.constant 0 : index
    tpu.barrier barrier_id(%barrier3A_50)
    %mul3A_51 = arith.constant 640 : i32
    %mul3A_52 = arith.muli %arg1, %mul3A_51 : i32
    "tpu.region"() ({
      %run_scoped3A = tpu.sem_alloc : memref<!tpu.dma_semaphore, #tpu.memory_space<semaphore_mem>>
      %dma_start3A = arith.constant 0 : i32
      %dma_start3A_53 = tpu.memref_slice %arg7[%arg0, %mul3A_52, %dma_start3A] : memref<2x10240x128xf32, #tpu.memory_space<hbm>> -> memref<1x640x128xf32, #tpu.memory_space<hbm>>
      %dma_start3A_54 = tpu.memref_squeeze %dma_start3A_53 : memref<1x640x128xf32, #tpu.memory_space<hbm>> -> memref<640x128xf32, #tpu.memory_space<hbm>>
      %dma_start3A_55 = arith.constant 0 : i32
      %dma_start3A_56 = tpu.memref_slice %arg23[%mul3A_52, %dma_start3A_55] : memref<10240x128xf32, #tpu.memory_space<vmem_shared>> -> memref<640x128xf32, #tpu.memory_space<vmem_shared>>
      tpu.enqueue_dma source(%dma_start3A_56 : memref<640x128xf32, #tpu.memory_space<vmem_shared>>) target(%dma_start3A_54 : memref<640x128xf32, #tpu.memory_space<hbm>>) target_semaphore(%run_scoped3A : memref<!tpu.dma_semaphore, #tpu.memory_space<semaphore_mem>>)
      %dma_wait3A = arith.constant 0 : i32
      %dma_wait3A_57 = tpu.memref_slice %arg7[%arg0, %mul3A_52, %dma_wait3A] : memref<2x10240x128xf32, #tpu.memory_space<hbm>> -> memref<1x640x128xf32, #tpu.memory_space<hbm>>
      %dma_wait3A_58 = tpu.memref_squeeze %dma_wait3A_57 : memref<1x640x128xf32, #tpu.memory_space<hbm>> -> memref<640x128xf32, #tpu.memory_space<hbm>>
      %dma_wait3A_59 = arith.constant 0 : i32
      %dma_wait3A_60 = tpu.memref_slice %arg23[%mul3A_52, %dma_wait3A_59] : memref<10240x128xf32, #tpu.memory_space<vmem_shared>> -> memref<640x128xf32, #tpu.memory_space<vmem_shared>>
      tpu.wait_dma2 semaphore(%run_scoped3A : memref<!tpu.dma_semaphore, #tpu.memory_space<semaphore_mem>>) src(%dma_wait3A_60 : memref<640x128xf32, #tpu.memory_space<vmem_shared>>) dst(%dma_wait3A_58 : memref<640x128xf32, #tpu.memory_space<hbm>>)
      tpu.yield
    }) : () -> ()
    "tpu.region"() ({
      %run_scoped3A = tpu.sem_alloc : memref<!tpu.dma_semaphore, #tpu.memory_space<semaphore_mem>>
      %dma_start3A = arith.constant 0 : i32
      %dma_start3A_53 = tpu.memref_slice %arg8[%arg0, %mul3A_52, %dma_start3A] : memref<2x10240x8xf32, #tpu.memory_space<hbm>> -> memref<1x640x8xf32, #tpu.memory_space<hbm>>
      %dma_start3A_54 = tpu.memref_squeeze %dma_start3A_53 : memref<1x640x8xf32, #tpu.memory_space<hbm>> -> memref<640x8xf32, #tpu.memory_space<hbm>>
      %dma_start3A_55 = arith.constant 0 : i32
      %dma_start3A_56 = tpu.memref_slice %arg24[%mul3A_52, %dma_start3A_55] : memref<10240x8xf32, #tpu.memory_space<vmem_shared>> -> memref<640x8xf32, #tpu.memory_space<vmem_shared>>
      tpu.enqueue_dma source(%dma_start3A_56 : memref<640x8xf32, #tpu.memory_space<vmem_shared>>) target(%dma_start3A_54 : memref<640x8xf32, #tpu.memory_space<hbm>>) target_semaphore(%run_scoped3A : memref<!tpu.dma_semaphore, #tpu.memory_space<semaphore_mem>>)
      %dma_wait3A = arith.constant 0 : i32
      %dma_wait3A_57 = tpu.memref_slice %arg8[%arg0, %mul3A_52, %dma_wait3A] : memref<2x10240x8xf32, #tpu.memory_space<hbm>> -> memref<1x640x8xf32, #tpu.memory_space<hbm>>
      %dma_wait3A_58 = tpu.memref_squeeze %dma_wait3A_57 : memref<1x640x8xf32, #tpu.memory_space<hbm>> -> memref<640x8xf32, #tpu.memory_space<hbm>>
      %dma_wait3A_59 = arith.constant 0 : i32
      %dma_wait3A_60 = tpu.memref_slice %arg24[%mul3A_52, %dma_wait3A_59] : memref<10240x8xf32, #tpu.memory_space<vmem_shared>> -> memref<640x8xf32, #tpu.memory_space<vmem_shared>>
      tpu.wait_dma2 semaphore(%run_scoped3A : memref<!tpu.dma_semaphore, #tpu.memory_space<semaphore_mem>>) src(%dma_wait3A_60 : memref<640x8xf32, #tpu.memory_space<vmem_shared>>) dst(%dma_wait3A_58 : memref<640x8xf32, #tpu.memory_space<hbm>>)
      tpu.yield
    }) : () -> ()
    return
  }
}

module attributes {stable_mosaic.version = 14 : i64} {
  func.func @_edge_prepass(%arg0: i32, %arg1: memref<2000x16xf32, #tpu.memory_space<vmem>>, %arg2: memref<2000x1xf32, #tpu.memory_space<vmem>>, %arg3: memref<16x8xf32, #tpu.memory_space<vmem>>, %arg4: memref<7x8xf32, #tpu.memory_space<vmem>>, %arg5: memref<2000x8xf32, #tpu.memory_space<vmem>>) attributes {dimension_semantics = [#tpu.dimension_semantics<arbitrary>], iteration_bounds = array<i64: 160>, scalar_prefetch = 0 : i64, scratch_operands = 0 : i64, tpu.core_type = #tpu.core_type<tc>, window_params = [{transform_indices = @transform_0, window_bounds = array<i64: 2000, 16>}, {transform_indices = @transform_1, window_bounds = array<i64: 2000, 1>}, {pipeline_mode = #tpu.pipeline_mode<synchronous>, transform_indices = @transform_2, window_bounds = array<i64: 16, 8>}, {pipeline_mode = #tpu.pipeline_mode<synchronous>, transform_indices = @transform_3, window_bounds = array<i64: 7, 8>}, {transform_indices = @transform_4, window_bounds = array<i64: 2000, 8>}]} {
    %get3A = arith.constant 0 : index
    %get3A_0 = arith.constant 0 : index
    %get3A_1 = vector.load %arg2[%get3A, %get3A_0] : memref<2000x1xf32, #tpu.memory_space<vmem>>, vector<2000x1xf32>
    %iota3A = tpu.iota {dimensions = array<i32: 1>} : vector<1x7xi32>
    %convert_element_type3A = arith.sitofp %iota3A : vector<1x7xi32> to vector<1x7xf32>
    %eq3A = vector.broadcast %get3A_1 : vector<2000x1xf32> to vector<2000x7xf32>
    %eq3A_2 = vector.broadcast %convert_element_type3A : vector<1x7xf32> to vector<2000x7xf32>
    %eq3A_3 = arith.cmpf oeq, %eq3A, %eq3A_2 : vector<2000x7xf32>
    %get3A_4 = arith.constant 0 : index
    %get3A_5 = arith.constant 0 : index
    %get3A_6 = vector.load %arg1[%get3A_4, %get3A_5] : memref<2000x16xf32, #tpu.memory_space<vmem>>, vector<2000x16xf32>
    %get3A_7 = arith.constant 0 : index
    %get3A_8 = arith.constant 0 : index
    %get3A_9 = vector.load %arg3[%get3A_7, %get3A_8] : memref<16x8xf32, #tpu.memory_space<vmem>>, vector<16x8xf32>
    %dot_general3A = arith.constant dense<0.000000e+00> : vector<2000x8xf32>
    %dot_general3A_10 = tpu.matmul %get3A_6, %get3A_9, %dot_general3A {dimension_numbers = #tpu.dot_dimension_numbers<[1], [0], [0], [1], [0, 0, 1, 1], [], []>, transpose_lhs_hint = false} : vector<2000x16xf32>, vector<16x8xf32>, vector<2000x8xf32> -> vector<2000x8xf32>
    %convert_element_type3A_11 = arith.extui %eq3A_3 : vector<2000x7xi1> to vector<2000x7xi32>
    %convert_element_type3A_12 = arith.sitofp %convert_element_type3A_11 : vector<2000x7xi32> to vector<2000x7xf32>
    %get3A_13 = arith.constant 0 : index
    %get3A_14 = arith.constant 0 : index
    %get3A_15 = vector.load %arg4[%get3A_13, %get3A_14] : memref<7x8xf32, #tpu.memory_space<vmem>>, vector<7x8xf32>
    %dot_general3A_16 = arith.constant dense<0.000000e+00> : vector<2000x8xf32>
    %dot_general3A_17 = tpu.matmul %convert_element_type3A_12, %get3A_15, %dot_general3A_16 {dimension_numbers = #tpu.dot_dimension_numbers<[1], [0], [0], [1], [0, 0, 1, 1], [], []>, transpose_lhs_hint = false} : vector<2000x7xf32>, vector<7x8xf32>, vector<2000x8xf32> -> vector<2000x8xf32>
    %add3A = arith.addf %dot_general3A_10, %dot_general3A_17 : vector<2000x8xf32>
    %swap3A = arith.constant 0 : index
    %swap3A_18 = arith.constant 0 : index
    %swap3A_19 = vector.load %arg5[%swap3A, %swap3A_18] : memref<2000x8xf32, #tpu.memory_space<vmem>>, vector<2000x8xf32>
    tpu.vector_store %arg5[%swap3A, %swap3A_18], %add3A {strides = array<i32>} : memref<2000x8xf32, #tpu.memory_space<vmem>>, vector<2000x8xf32>,
    return
  }
  func.func @transform_0(%arg0: i32) -> (i32, i32) {
    %c0_i32 = arith.constant 0 : i32
    %c0_i32_0 = arith.constant 0 : i32
    return %arg0, %c0_i32 : i32, i32
  }
  func.func @transform_1(%arg0: i32) -> (i32, i32) {
    %c0_i32 = arith.constant 0 : i32
    %c0_i32_0 = arith.constant 0 : i32
    return %arg0, %c0_i32 : i32, i32
  }
  func.func @transform_2(%arg0: i32) -> (i32, i32) {
    %c0_i32 = arith.constant 0 : i32
    %c0_i32_0 = arith.constant 0 : i32
    %c0_i32_1 = arith.constant 0 : i32
    return %c0_i32, %c0_i32_0 : i32, i32
  }
  func.func @transform_3(%arg0: i32) -> (i32, i32) {
    %c0_i32 = arith.constant 0 : i32
    %c0_i32_0 = arith.constant 0 : i32
    %c0_i32_1 = arith.constant 0 : i32
    return %c0_i32, %c0_i32_0 : i32, i32
  }
  func.func @transform_4(%arg0: i32) -> (i32, i32) {
    %c0_i32 = arith.constant 0 : i32
    %c0_i32_0 = arith.constant 0 : i32
    return %arg0, %c0_i32 : i32, i32
  }
}

module attributes {stable_mosaic.version = 14 : i64} {
  func.func @_node_prepass(%arg0: i32, %arg1: memref<256x128xf32, #tpu.memory_space<vmem>>, %arg2: memref<128x128xf32, #tpu.memory_space<vmem>>, %arg3: memref<128x16xf32, #tpu.memory_space<vmem>>, %arg4: memref<256x128xf32, #tpu.memory_space<vmem>>, %arg5: memref<256x16xf32, #tpu.memory_space<vmem>>) attributes {dimension_semantics = [#tpu.dimension_semantics<arbitrary>], iteration_bounds = array<i64: 40>, scalar_prefetch = 0 : i64, scratch_operands = 0 : i64, tpu.core_type = #tpu.core_type<tc>, window_params = [{transform_indices = @transform_0, window_bounds = array<i64: 256, 128>}, {pipeline_mode = #tpu.pipeline_mode<synchronous>, transform_indices = @transform_1, window_bounds = array<i64: 128, 128>}, {pipeline_mode = #tpu.pipeline_mode<synchronous>, transform_indices = @transform_2, window_bounds = array<i64: 128, 16>}, {transform_indices = @transform_3, window_bounds = array<i64: 256, 128>}, {transform_indices = @transform_4, window_bounds = array<i64: 256, 16>}]} {
    %get3A = arith.constant 0 : index
    %get3A_0 = arith.constant 0 : index
    %get3A_1 = vector.load %arg1[%get3A, %get3A_0] : memref<256x128xf32, #tpu.memory_space<vmem>>, vector<256x128xf32>
    %get3A_2 = arith.constant 0 : index
    %get3A_3 = arith.constant 0 : index
    %get3A_4 = vector.load %arg2[%get3A_2, %get3A_3] : memref<128x128xf32, #tpu.memory_space<vmem>>, vector<128x128xf32>
    %dot_general3A = arith.constant dense<0.000000e+00> : vector<256x128xf32>
    %dot_general3A_5 = tpu.matmul %get3A_1, %get3A_4, %dot_general3A {dimension_numbers = #tpu.dot_dimension_numbers<[1], [0], [0], [1], [0, 0, 1, 1], [], []>, transpose_lhs_hint = false} : vector<256x128xf32>, vector<128x128xf32>, vector<256x128xf32> -> vector<256x128xf32>
    %swap3A = arith.constant 0 : index
    %swap3A_6 = arith.constant 0 : index
    %swap3A_7 = vector.load %arg4[%swap3A, %swap3A_6] : memref<256x128xf32, #tpu.memory_space<vmem>>, vector<256x128xf32>
    tpu.vector_store %arg4[%swap3A, %swap3A_6], %dot_general3A_5 {strides = array<i32>} : memref<256x128xf32, #tpu.memory_space<vmem>>, vector<256x128xf32>,
    %get3A_8 = arith.constant 0 : index
    %get3A_9 = arith.constant 0 : index
    %get3A_10 = vector.load %arg3[%get3A_8, %get3A_9] : memref<128x16xf32, #tpu.memory_space<vmem>>, vector<128x16xf32>
    %dot_general3A_11 = arith.constant dense<0.000000e+00> : vector<256x16xf32>
    %dot_general3A_12 = tpu.matmul %get3A_1, %get3A_10, %dot_general3A_11 {dimension_numbers = #tpu.dot_dimension_numbers<[1], [0], [0], [1], [0, 0, 1, 1], [], []>, transpose_lhs_hint = false} : vector<256x128xf32>, vector<128x16xf32>, vector<256x16xf32> -> vector<256x16xf32>
    %swap3A_13 = arith.constant 0 : index
    %swap3A_14 = arith.constant 0 : index
    %swap3A_15 = vector.load %arg5[%swap3A_13, %swap3A_14] : memref<256x16xf32, #tpu.memory_space<vmem>>, vector<256x16xf32>
    tpu.vector_store %arg5[%swap3A_13, %swap3A_14], %dot_general3A_12 {strides = array<i32>} : memref<256x16xf32, #tpu.memory_space<vmem>>, vector<256x16xf32>,
    return
  }
  func.func @transform_0(%arg0: i32) -> (i32, i32) {
    %c0_i32 = arith.constant 0 : i32
    %c0_i32_0 = arith.constant 0 : i32
    return %arg0, %c0_i32 : i32, i32
  }
  func.func @transform_1(%arg0: i32) -> (i32, i32) {
    %c0_i32 = arith.constant 0 : i32
    %c0_i32_0 = arith.constant 0 : i32
    %c0_i32_1 = arith.constant 0 : i32
    return %c0_i32, %c0_i32_0 : i32, i32
  }
  func.func @transform_2(%arg0: i32) -> (i32, i32) {
    %c0_i32 = arith.constant 0 : i32
    %c0_i32_0 = arith.constant 0 : i32
    %c0_i32_1 = arith.constant 0 : i32
    return %c0_i32, %c0_i32_0 : i32, i32
  }
  func.func @transform_3(%arg0: i32) -> (i32, i32) {
    %c0_i32 = arith.constant 0 : i32
    %c0_i32_0 = arith.constant 0 : i32
    return %arg0, %c0_i32 : i32, i32
  }
  func.func @transform_4(%arg0: i32) -> (i32, i32) {
    %c0_i32 = arith.constant 0 : i32
    %c0_i32_0 = arith.constant 0 : i32
    return %arg0, %c0_i32 : i32, i32
  }
}

module attributes {stable_mosaic.version = 14 : i64} {
  func.func @_final_dense(%arg0: i32, %arg1: memref<2x256x128xf32, #tpu.memory_space<vmem>>, %arg2: memref<256x128xf32, #tpu.memory_space<vmem>>, %arg3: memref<256x128xf32, #tpu.memory_space<vmem>>, %arg4: memref<128x128xf32, #tpu.memory_space<vmem>>, %arg5: memref<1x128xf32, #tpu.memory_space<vmem>>, %arg6: memref<1x128xf32, #tpu.memory_space<vmem>>, %arg7: memref<1x128xf32, #tpu.memory_space<vmem>>, %arg8: memref<256x128xf32, #tpu.memory_space<vmem>>) attributes {dimension_semantics = [#tpu.dimension_semantics<arbitrary>], iteration_bounds = array<i64: 40>, scalar_prefetch = 0 : i64, scratch_operands = 0 : i64, tpu.core_type = #tpu.core_type<tc>, window_params = [{transform_indices = @transform_0, window_bounds = array<i64: 2, 256, 128>}, {transform_indices = @transform_1, window_bounds = array<i64: 256, 128>}, {transform_indices = @transform_2, window_bounds = array<i64: 256, 128>}, {pipeline_mode = #tpu.pipeline_mode<synchronous>, transform_indices = @transform_3, window_bounds = array<i64: 128, 128>}, {pipeline_mode = #tpu.pipeline_mode<synchronous>, transform_indices = @transform_4, window_bounds = array<i64: 1, 128>}, {pipeline_mode = #tpu.pipeline_mode<synchronous>, transform_indices = @transform_5, window_bounds = array<i64: 1, 128>}, {pipeline_mode = #tpu.pipeline_mode<synchronous>, transform_indices = @transform_6, window_bounds = array<i64: 1, 128>}, {transform_indices = @transform_7, window_bounds = array<i64: 256, 128>}]} {
    %get3A = arith.constant 0 : index
    %get3A_0 = arith.constant 0 : index
    %get3A_1 = arith.constant 0 : index
    %get3A_2 = vector.load %arg1[%get3A, %get3A_0, %get3A_1] : memref<2x256x128xf32, #tpu.memory_space<vmem>>, vector<1x256x128xf32>
    %get3A_3 = vector.shape_cast %get3A_2 : vector<1x256x128xf32> to vector<256x128xf32>
    %get3A_4 = arith.constant 1 : index
    %get3A_5 = arith.constant 0 : index
    %get3A_6 = arith.constant 0 : index
    %get3A_7 = vector.load %arg1[%get3A_4, %get3A_5, %get3A_6] : memref<2x256x128xf32, #tpu.memory_space<vmem>>, vector<1x256x128xf32>
    %get3A_8 = vector.shape_cast %get3A_7 : vector<1x256x128xf32> to vector<256x128xf32>
    %add3A = arith.addf %get3A_3, %get3A_8 : vector<256x128xf32>
    %get3A_9 = arith.constant 0 : index
    %get3A_10 = arith.constant 0 : index
    %get3A_11 = vector.load %arg2[%get3A_9, %get3A_10] : memref<256x128xf32, #tpu.memory_space<vmem>>, vector<256x128xf32>
    %div3A = arith.divf %add3A, %get3A_11 : vector<256x128xf32>
    %get3A_12 = arith.constant 0 : index
    %get3A_13 = arith.constant 0 : index
    %get3A_14 = vector.load %arg4[%get3A_12, %get3A_13] : memref<128x128xf32, #tpu.memory_space<vmem>>, vector<128x128xf32>
    %dot_general3A = arith.constant dense<0.000000e+00> : vector<256x128xf32>
    %dot_general3A_15 = tpu.matmul %div3A, %get3A_14, %dot_general3A {dimension_numbers = #tpu.dot_dimension_numbers<[1], [0], [0], [1], [0, 0, 1, 1], [], []>, transpose_lhs_hint = false} : vector<256x128xf32>, vector<128x128xf32>, vector<256x128xf32> -> vector<256x128xf32>
    %get3A_16 = arith.constant 0 : index
    %get3A_17 = arith.constant 0 : index
    %get3A_18 = vector.load %arg5[%get3A_16, %get3A_17] : memref<1x128xf32, #tpu.memory_space<vmem>>, vector<1x128xf32>
    %add3A_19 = vector.broadcast %get3A_18 : vector<1x128xf32> to vector<256x128xf32>
    %add3A_20 = arith.addf %dot_general3A_15, %add3A_19 : vector<256x128xf32>
    %reduce_sum3A = arith.constant dense<0.000000e+00> : vector<256xf32>
    %reduce_sum3A_21 = vector.multi_reduction <add>, %add3A_20, %reduce_sum3A [1] : vector<256x128xf32> to vector<256xf32>
    %broadcast_in_dim3A = vector.shape_cast %reduce_sum3A_21 : vector<256xf32> to vector<256x1xf32>
    %div3A_22 = arith.constant 1.280000e+02 : f32
    %div3A_23 = vector.broadcast %div3A_22 : f32 to vector<256x1xf32>
    %div3A_24 = arith.divf %broadcast_in_dim3A, %div3A_23 : vector<256x1xf32>
    %sub3A = vector.broadcast %div3A_24 : vector<256x1xf32> to vector<256x128xf32>
    %sub3A_25 = arith.subf %add3A_20, %sub3A : vector<256x128xf32>
    %mul3A = arith.mulf %sub3A_25, %sub3A_25 : vector<256x128xf32>
    %reduce_sum3A_26 = arith.constant dense<0.000000e+00> : vector<256xf32>
    %reduce_sum3A_27 = vector.multi_reduction <add>, %mul3A, %reduce_sum3A_26 [1] : vector<256x128xf32> to vector<256xf32>
    %broadcast_in_dim3A_28 = vector.shape_cast %reduce_sum3A_27 : vector<256xf32> to vector<256x1xf32>
    %div3A_29 = arith.constant 1.280000e+02 : f32
    %div3A_30 = vector.broadcast %div3A_29 : f32 to vector<256x1xf32>
    %div3A_31 = arith.divf %broadcast_in_dim3A_28, %div3A_30 : vector<256x1xf32>
    %add3A_32 = arith.constant 9.99999974E-6 : f32
    %add3A_33 = vector.broadcast %add3A_32 : f32 to vector<256x1xf32>
    %add3A_34 = arith.addf %div3A_31, %add3A_33 : vector<256x1xf32>
    %sqrt3A = math.sqrt %add3A_34 : vector<256x1xf32>
    %div3A_35 = vector.broadcast %sqrt3A : vector<256x1xf32> to vector<256x128xf32>
    %div3A_36 = arith.divf %sub3A_25, %div3A_35 : vector<256x128xf32>
    %get3A_37 = arith.constant 0 : index
    %get3A_38 = arith.constant 0 : index
    %get3A_39 = vector.load %arg6[%get3A_37, %get3A_38] : memref<1x128xf32, #tpu.memory_space<vmem>>, vector<1x128xf32>
    %mul3A_40 = vector.broadcast %get3A_39 : vector<1x128xf32> to vector<256x128xf32>
    %mul3A_41 = arith.mulf %div3A_36, %mul3A_40 : vector<256x128xf32>
    %get3A_42 = arith.constant 0 : index
    %get3A_43 = arith.constant 0 : index
    %get3A_44 = vector.load %arg7[%get3A_42, %get3A_43] : memref<1x128xf32, #tpu.memory_space<vmem>>, vector<1x128xf32>
    %add3A_45 = vector.broadcast %get3A_44 : vector<1x128xf32> to vector<256x128xf32>
    %add3A_46 = arith.addf %mul3A_41, %add3A_45 : vector<256x128xf32>
    %get3A_47 = arith.constant 0 : index
    %get3A_48 = arith.constant 0 : index
    %get3A_49 = vector.load %arg3[%get3A_47, %get3A_48] : memref<256x128xf32, #tpu.memory_space<vmem>>, vector<256x128xf32>
    %add3A_50 = arith.addf %add3A_46, %get3A_49 : vector<256x128xf32>
    %swap3A = arith.constant 0 : index
    %swap3A_51 = arith.constant 0 : index
    %swap3A_52 = vector.load %arg8[%swap3A, %swap3A_51] : memref<256x128xf32, #tpu.memory_space<vmem>>, vector<256x128xf32>
    tpu.vector_store %arg8[%swap3A, %swap3A_51], %add3A_50 {strides = array<i32>} : memref<256x128xf32, #tpu.memory_space<vmem>>, vector<256x128xf32>,
    return
  }
  func.func @transform_0(%arg0: i32) -> (i32, i32, i32) {
    %c0_i32 = arith.constant 0 : i32
    %c0_i32_0 = arith.constant 0 : i32
    %c0_i32_1 = arith.constant 0 : i32
    return %c0_i32, %arg0, %c0_i32_0 : i32, i32, i32
  }
  func.func @transform_1(%arg0: i32) -> (i32, i32) {
    %c0_i32 = arith.constant 0 : i32
    %c0_i32_0 = arith.constant 0 : i32
    return %arg0, %c0_i32 : i32, i32
  }
  func.func @transform_2(%arg0: i32) -> (i32, i32) {
    %c0_i32 = arith.constant 0 : i32
    %c0_i32_0 = arith.constant 0 : i32
    return %arg0, %c0_i32 : i32, i32
  }
  func.func @transform_3(%arg0: i32) -> (i32, i32) {
    %c0_i32 = arith.constant 0 : i32
    %c0_i32_0 = arith.constant 0 : i32
    %c0_i32_1 = arith.constant 0 : i32
    return %c0_i32, %c0_i32_0 : i32, i32
  }
  func.func @transform_4(%arg0: i32) -> (i32, i32) {
    %c0_i32 = arith.constant 0 : i32
    %c0_i32_0 = arith.constant 0 : i32
    %c0_i32_1 = arith.constant 0 : i32
    return %c0_i32, %c0_i32_0 : i32, i32
  }
  func.func @transform_5(%arg0: i32) -> (i32, i32) {
    %c0_i32 = arith.constant 0 : i32
    %c0_i32_0 = arith.constant 0 : i32
    %c0_i32_1 = arith.constant 0 : i32
    return %c0_i32, %c0_i32_0 : i32, i32
  }
  func.func @transform_6(%arg0: i32) -> (i32, i32) {
    %c0_i32 = arith.constant 0 : i32
    %c0_i32_0 = arith.constant 0 : i32
    %c0_i32_1 = arith.constant 0 : i32
    return %c0_i32, %c0_i32_0 : i32, i32
  }
  func.func @transform_7(%arg0: i32) -> (i32, i32) {
    %c0_i32 = arith.constant 0 : i32
    %c0_i32_0 = arith.constant 0 : i32
    return %arg0, %c0_i32 : i32, i32
  }
}

</mosaic_0001>

<sc_bundles>
// kernel: kernel.6.cloned.1.call-start
scs
__scs_entry_jumppad:
0x0: {  	(pc) =	sbr.rel $0x88, $3  }
0x1: {  	(tag) =	ssettag $0x0;
	lr =	simm.s32 $0x1  }
0x2: {  	[smem:$0x3F91] =	sst lr;
	_ =	strace $0xD0000000  }
0x3: {  	_ = 	snop  }
0x4: {  	_ = 	snop  }
0x5: {  	_ = 	snop  }
0x6: {  	_ = 	snop  }
0x7: {  	_ = 	snop  }
__scs_overlays_trampoline_lowered:
0x8: {  	[smem:$0x3FA0] =	sst s0  }
0x9: {  	[smem:$0x3FA1] =	sst s1  }
0xa: {  	[smem:$0x3FA2] =	sst s2  }
0xb: {  	[smem:$0x3FA3] =	sst s3  }
0xc: {  	[smem:$0x3FA4] =	sst s4  }
0xd: {  	[smem:$0x3FA5] =	sst s5  }
0xe: {  	[smem:$0x3FA6] =	sst s6  }
0xf: {  	[smem:$0x3FA7] =	sst s7  }
0x10: {  	[smem:$0x3FA8] =	sst s8  }
0x11: {  	[smem:$0x3FA9] =	sst s9;
	s0 =	simm.s32 @!p0 $0x0  }
0x12: {  	s1 =	sld [smem:$0x3F8F];
	s0 =	simm.s32 @p0 $0x1  }
0x13: {  	[smem:$0x3FAA] =	sst s0;
	s0 =	simm.s32 @!p1 $0x0  }
0x14: {  	s2 =	sld [smem:$0x3F8E];
	s0 =	simm.s32 @p1 $0x1  }
0x15: {  	[smem:$0x3FAB] =	sst s0;
	s0 =	simm.s32 @!p2 $0x0  }
0x16: {  	s3 =	sld [smem:$0x3FDB];
	s0 =	simm.s32 @p2 $0x1  }
0x17: {  	s4 =	simm.s32 $0x1BF5;
	[smem:$0x3FAD] =	sst s0  }
0x18: {  	s0 =	sld [smem:$0x3F90];
	_ =	swait.ge [sflag:s4], $0x0  }
0x19: {  	s7 =	sld [smem:$0x3F91]  }
0x1a: {  	s8 =	sadd.s32 $0xFFFFE003, lr  }
0x1b: {  	s9 =	sadd.s32 $0xFFFFFEF7, lr;
	s5 =	simm.s32 $0xFFFFFFFF;
	p2 =	slt.u32 s8, $0xFFFFF086  }
0x1c: {  	p1 =	slt.u32 s9, $0xF7A;
	s5 =	simm.s32 @!p2 $0x0  }
0x1d: {  	s5 =	simm.s32 @p1 $0x1;
	p0 =	seq.s32 s7, s2  }
0x1e: {  	s7 =	smul.u32 @!p0 $0xF7A, s2;
	p2 =	seq.s32 @!p0 s5, $0x0  }
0x1f: {  	s9 =	smul.u32 $0xF7A, s1;
	s8 =	simm.s32 @!p0 $0x1BF5;
	p2 =	por !p2, p0  }
0x20: {  	[sflag:s8] =	ssyncset.s32 @!p0 $0xFFFFF086;
	s6 =	sadd.s32 @!p0 s3, s7;
	s7 =	simm.s32 @!p0 $0x108  }
0x21: {  	s3 =	sadd.s32 s3, s9;
	s6 =	sadd.s32 @!p0 $0x88, s6;
	s7 =	simm.s32 @p2 $0x1082  }
0x22: {  	[simem:s7], [sflag:s8] =	dma.local @!p0 [hbm:s6], $0xF7A  }
0x23: {  	s9 =	sor.u32 $0xD0000000, s2;
	s6 =	simm.s32 $0x108;
	_ =	swait.ge @!p0 [sflag:s8], $0x0  }
0x24: {  	s3 =	sadd.s32 $0x88, s3;
	s6 =	simm.s32 @!p1 $0x1082;
	[sflag:s4] =	ssyncset.s32 $0xFFFFF086  }
0x25: {  	[simem:s6], [sflag:s4] =	dma.local [hbm:s3], $0xF7A  }
0x26: {  	[smem:$0x3F91] =	sst s1;
	(tag) =	ssettag s2;
	_ =	strace s9  }
0x27: {  	s1 =	sld [smem:$0x3FA1]  }
0x28: {  	s2 =	sld [smem:$0x3FA2]  }
0x29: {  	s4 =	sld [smem:$0x3FA4]  }
0x2a: {  	p0 =	seq.s32 s5, $0x0;
	s5 =	sld [smem:$0x3FA5]  }
0x2b: {  	s6 =	sld [smem:$0x3FA6]  }
0x2c: {  	s7 =	sld [smem:$0x3FA7]  }
0x2d: {  	s3 =	simm.s32 $0x108;
	s8 =	sld [smem:$0x3FA8]  }
0x2e: {  	s3 =	simm.s32 @!p0 $0x1082;
	s9 =	sld [smem:$0x3FA9]  }
0x2f: {  	lr =	sadd.s32 s0, s3;
	s0 =	sld [smem:$0x3FA0]  }
0x30: {  	s3 =	sld [smem:$0x3FA3]  }
0x31: {  	[smem:$0x3FAC] =	sst s10  }
0x32: {  	s10 =	sld [smem:$0x3FAA];
	_ =	sdelay $0x3  }
0x33: {  	p0 =	seq.s32 s10, $0x1;
	s10 =	sld [smem:$0x3FAC];
	_ =	sdelay $0x3  }
0x34: {  	[smem:$0x3FAC] =	sst s10  }
0x35: {  	s10 =	sld [smem:$0x3FAB];
	_ =	sdelay $0x3  }
0x36: {  	p1 =	seq.s32 s10, $0x1;
	s10 =	sld [smem:$0x3FAC];
	_ =	sdelay $0x3  }
0x37: {  	[smem:$0x3FAC] =	sst s10  }
0x38: {  	s10 =	sld [smem:$0x3FAD]  }
0x39: {  	_ = 	snop;
	(pc) =	sbr.ind lr, $3  }
0x3a: {  	_ = 	snop  }
0x3b: {  	_ = 	snop  }
0x3c: {  	p2 =	seq.s32 s10, $0x1;
	s10 =	sld [smem:$0x3FAC]  }
0x3d: {  	_ =	shalt  }
0x3e: {  	_ =	shalt  }
0x3f: {  	_ =	shalt  }
0x40: {  	_ =	shalt  }
0x41: {  	_ =	shalt  }
0x42: {  	_ =	shalt  }
0x43: {  	_ =	shalt  }
0x44: {  	_ =	shalt  }
0x45: {  	_ =	shalt  }
0x46: {  	_ =	shalt  }
0x47: {  	_ =	shalt  }
0x48: {  	_ =	shalt  }
0x49: {  	_ =	shalt  }
0x4a: {  	_ =	shalt  }
0x4b: {  	_ =	shalt  }
0x4c: {  	_ =	shalt  }
0x4d: {  	_ =	shalt  }
0x4e: {  	_ =	shalt  }
0x4f: {  	_ =	shalt  }
0x50: {  	_ =	shalt  }
0x51: {  	_ =	shalt  }
0x52: {  	_ =	shalt  }
0x53: {  	_ =	shalt  }
0x54: {  	_ =	shalt  }
0x55: {  	_ =	shalt  }
0x56: {  	_ =	shalt  }
0x57: {  	_ =	shalt  }
0x58: {  	_ =	shalt  }
0x59: {  	_ =	shalt  }
0x5a: {  	_ =	shalt  }
0x5b: {  	_ =	shalt  }
0x5c: {  	_ =	shalt  }
0x5d: {  	_ =	shalt  }
0x5e: {  	_ =	shalt  }
0x5f: {  	_ =	shalt  }
0x60: {  	_ =	shalt  }
0x61: {  	_ =	shalt  }
0x62: {  	_ =	shalt  }
0x63: {  	_ =	shalt  }
0x64: {  	_ =	shalt  }
0x65: {  	_ =	shalt  }
0x66: {  	_ =	shalt  }
0x67: {  	_ =	shalt  }
0x68: {  	_ =	shalt  }
0x69: {  	_ =	shalt  }
0x6a: {  	_ =	shalt  }
0x6b: {  	_ =	shalt  }
0x6c: {  	_ =	shalt  }
0x6d: {  	_ =	shalt  }
0x6e: {  	_ =	shalt  }
0x6f: {  	_ =	shalt  }
0x70: {  	_ =	shalt  }
0x71: {  	_ =	shalt  }
0x72: {  	_ =	shalt  }
0x73: {  	_ =	shalt  }
0x74: {  	_ =	shalt  }
0x75: {  	_ =	shalt  }
0x76: {  	_ =	shalt  }
0x77: {  	_ =	shalt  }
0x78: {  	_ =	shalt  }
0x79: {  	_ =	shalt  }
0x7a: {  	_ =	shalt  }
0x7b: {  	_ =	shalt  }
0x7c: {  	_ =	shalt  }
0x7d: {  	_ =	shalt  }
0x7e: {  	_ =	shalt  }
0x7f: {  	_ =	shalt  }
0x80: {  	_ =	shalt  }
0x81: {  	_ =	shalt  }
0x82: {  	_ =	shalt  }
0x83: {  	_ =	shalt  }
0x84: {  	_ =	shalt  }
0x85: {  	_ =	shalt  }
0x86: {  	_ =	shalt  }
0x87: {  	_ =	shalt  }
.Lfunc_end0:
.L_simem_size_0:
called_computation_lowered:
.L_overlay_start_0:
0x88: {  	s2 =	sld [smem:$0x3FD9]  }
0x89: {  	s3 =	sld [smem:$0x3FFE];
	_ =	sdelay $0x1  }
0x8a: {  	s1 =	srdreg.scid  }
0x8b: {  	s0 =	sand.u32 $0x1, s1  }
0x8c: {  	s17 =	sshll.u32 s0, $0xA;
	s2 =	sadd.s32 s3, s2  }
0x8d: {  	s2 =	sadd.s32 s2, s17  }
0x8e: {  	[smem:$0x3FB8] =	sst s2  }
0x8f: {  	_ = 	snop  }
0x90: {  	s2 =	sld [smem:$0x3FD0];
	(tm) =	ssettm $0x1  }
0x91: {  	s18 =	sld [smem:$0x3FFB];
	_ =	sdelay $0x3  }
0x92: {  	_ =	strace s18  }
0x93: {  	s3 =	sld [smem:$0x3FFC];
	_ =	sdelay $0x3  }
0x94: {  	_ =	strace s3  }
0x95: {  	s3 =	sld [smem:$0x3FFD];
	_ =	sdelay $0x3  }
0x96: {  	_ =	strace s3  }
0x97: {  	_ =	strace $0x8FFFFFFF  }
0x98: {  	s19 =	sld [smem:$0x3FDB];
	_ =	sdelay $0x1  }
0x99: {  	s4 =	simm.s32 $_scs_section_size  }
0x9a: {  	s5 =	simm.s32 $_size__tile_overlayer_lowered;
	s6 =	simm.s32 $_tile_overlayer_lowered  }
0x9b: {  	s22 =	simm.s32 $0x1BFF;
	s21 =	sshll.u32 s6, $0x1;
	s3 =	sadd.s32 s4, s19  }
0x9c: {  	s7 =	simm.s32 $0x0;
	s20 =	sshll.u32 s5, $0x1;
	s5 =	sadd.s32 s21, s3  }
0x9d: {  	[timem:s7], [sflag:s22] =	dma.local [hbm:s5], s20  }
0x9e: {  	_ =	swait.ge [sflag:s22], s20  }
0x9f: {  	s4 =	ssub.s32 $0x0, s20;
	[sflag:s22] =	ssyncset.done $0x0  }
0xa0: {  	[sflag:s22] =	ssyncadd.s32 s4;
	_ =	sdelay $0x1  }
0xa1: {  	s23 =	simm.s32 $0x1B8B  }
0xa2: {  	_ =	swait.ge [sflag:s23], $0x1  }
0xa3: {  	[sflag:s23] =	ssyncset.done $0x0  }
0xa4: {  	s25 =	simm.s32 $0x1B8E;
	s24 =	sld [smem:$0x3FFE];
	[sflag:s23] =	ssyncadd.s32 $0xFFFFFFFF  }
0xa5: {  	s26 =	simm.s32 $execute0_lowered;
	[smem:$0x3FD2] =	sst s25  }
0xa6: {  	s5 =	sshll.u32 s26, $0x1;
	_ =	strace $0x80000046;
	[dreg:$0x1] =	wrdreg $0xFFFFFFFF  }
0xa7: {  	s28 =	simm.s32 $_size_execute0_lowered;
	s3 =	sadd.s32 s3, s5;
	[dreg:$0x0] =	wrdreg $0x0  }
0xa8: {  	s5 =	sshll.u32 s28, $0x1;
	[dreg:$0x2] =	wrdreg s3  }
0xa9: {  	[dreg:$0x3] =	wrdreg s5  }
0xaa: {  	[dreg:$0x4] =	wrdreg $0xC0  }
0xab: {  	_ =	task [dreg:s7], $0x5FFFF  }
0xac: {  	[dreg:$0x1] =	wrdreg $0xFFFFFFFF  }
0xad: {  	[dreg:$0x0] =	wrdreg $0x60  }
0xae: {  	[dreg:$0x2] =	wrdreg s2  }
0xaf: {  	[dreg:$0x3] =	wrdreg s24  }
0xb0: {  	[dreg:$0x4] =	wrdreg $0xA3000  }
0xb1: {  	[dreg:$0x5] =	wrdreg $0x1E3000  }
0xb2: {  	[dreg:$0x6] =	wrdreg $0x9  }
0xb3: {  	_ =	task.clear_ibuf [dreg:s7], $0x7FFFF;
	_ =	strace $0x90000046  }
0xb4: {  	s29 =	simm.s32 $0x9;
	_ =	strace $0x80000048  }
0xb5: {  	_ =	swait.ge [sflag:s29], $0x1  }
0xb6: {  	[sflag:s29] =	ssyncadd.s32 $0xFFFFFFFF  }
0xb7: {  	_ =	strace $0x90000048  }
0xb8: {  	_ =	sfence  }
0xb9: {  	s30 =	sld [smem:$0x0];
	_ =	sdelay $0x2  }
0xba: {  	s31 =	sshll.u32 s1, $0xD;
	s1 =	sshrl.u32 s1, $0x2  }
0xbb: {  	s3 =	sand.u32 $0x4000, s31;
	s1 =	sadd.s32 s1, s30  }
0xbc: {  	s0 =	sor.u32 s3, s0;
	s1 =	sshll.u32 s1, $0x11  }
0xbd: {  	s0 =	sor.u32 s1, s0  }
0xbe: {  	s0 =	sadd.s32 $0x8F2B, s0  }
0xbf: {  	[sflag:s0] =	ssyncadd.remote.s32 $0x1  }
0xc0: {  	_ =	sfence.sel $0xFFFF  }
0xc1: {  	[dreg:$0x0] =	wrdreg $0xFFFFFFFF;
	(pc) =	sbr.abs _section_cstart, $3  }
0xc2: {  	[dreg:$0x1] =	wrdreg $0xFFFFFFFF  }
0xc3: {  	_ =	task.clear_ibuf [dreg:s7], $0x2FFFF;
	_ =	strace $0x9FFFFFFF  }
0xc4: {  	(tm) =	ssettm $0x7FFFFFFF  }
0xc5: {  	_ =	shalt  }
tec
execute0_lowered:
.L_overlay_start_1:
0x0: {  	(tag) =	ssettag $0x1  }
0x1: {  	s0 =	rddreg [dreg:$0x1]  }
0x2: {  	s21 =	rddreg [dreg:$0x2];
	s1 =	srdreg.scid  }
0x3: {  	s11 =	stileid.u32;
	s12 =	rddreg [dreg:$0x3]  }
0x4: {  	s5 =	simm.s32 $0x0;
	s4 =	simm.s32 $0x0;
	s28 =	simm.s32 $0xD  }
0x5: {  	s30 =	simm.s32 $0x80;
	s29 =	simm.s32 $0xB;
	s2 =	smul.u32 $0x14000, s11  }
0x6: {  	s1 =	sand.u32 $0x1, s1;
	[dreg:$0x5] =	wrdreg s4;
	s23 =	smul.u32 $0x1400, s11  }
0x7: {  	[smem:$0x7FF] =	sst s5;
	s6 =	sadd.s32 $0x1600, s0;
	s8 =	smul.u32 $0x280, s11  }
0x8: {  	s7 =	sadd.s32 $0x33A00, s0;
	s25 =	sadd.s32 $0x36200, s0;
	s3 =	smul.u32 $0x140000, s1  }
0x9: {  	s9 =	sadd.s32 $0xBA00, s0;
	_ =	strace $0x80000047;
	s24 =	smul.u32 $0x14000, s1  }
0xa: {  	[dreg:$0x6] =	wrdreg s6;
	s26 =	ssub.s32 $0x2, s1;
	s1 =	sshll.u32 s1, $0x4  }
0xb: {  	[dreg:$0x7] =	wrdreg s25;
	s10 =	sshrl.u32 s26, $0x1;
	s1 =	sor.u32 s11, s1  }
0xc: {  	s31 =	sadd.s32 $0x80, s8;
	s11 =	sadd.s32 s23, s12;
	s14 =	sadd.s32 $0x100, s8  }
0xd: {  	s16 =	sadd.s32 $0x180, s8;
	s20 =	sadd.s32 $0x200, s8;
	s3 =	sadd.s32 s2, s3  }
0xe: {  	s5 =	sadd.s32 s23, s24;
	s6 =	ssub.s32 s26, s10;
	s1 =	smul.u32 $0x52, s1  }
0xf: {  	s10 =	sadd.s32 s2, s21;
	[dreg:$0xa] =	wrdreg s11;
	s13 =	sshll.u32 s31, $0x7  }
0x10: {  	s15 =	sshll.u32 s14, $0x7;
	s17 =	sshll.u32 s14, $0x3;
	s18 =	sshll.u32 s16, $0x7  }
0x11: {  	s22 =	sshll.u32 s16, $0x3;
	s23 =	sshll.u32 s20, $0x7;
	s14 =	simm.s32 $0x280  }
0x12: {  	s16 =	simm.s32 $0xF00;
	s11 =	simm.s32 $0x6;
	s3 =	sshrl.u32 s3, $0x3  }
0x13: {  	s5 =	sshrl.u32 s5, $0x3;
	s2 =	sadd.s32 s13, s21;
	s19 =	sadd.s32 s18, s21  }
0x14: {  	s24 =	sadd.s32 s23, s21;
	s13 =	simm.s32 $0xB00;
	[dreg:$0x9] =	wrdreg s10  }
0x15: {  	s18 =	simm.s32 $0x1;
	s23 =	simm.s32 $0x2;
	[dreg:$0x8] =	wrdreg s1  }
0x16: {  	s3 =	sadd.s32 s3, s0;
	s5 =	sadd.s32 s5, s0;
	[dreg:$0xb] =	wrdreg s2  }
0x17: {  	s1 =	sshll.u32 s31, $0x3;
	[dreg:$0xf] =	wrdreg s19;
	s2 =	sadd.s32 s22, s12  }
0x18: {  	[dreg:$0x11] =	wrdreg s24;
	s0 =	sadd.s32 $0x36280, s0;
	s31 =	smax.u32 s6, $0x1  }
0x19: {  	s19 =	simm.s32 $0x3;
	s22 =	simm.s32 $0x7;
	[dreg:$0x10] =	wrdreg s2  }
0x1a: {  	s24 =	simm.s32 $0x4;
	s1 =	sadd.s32 s1, s12;
	[dreg:$0x13] =	wrdreg s0  }
0x1b: {  	s25 =	sadd.s32 $0x8D200, s3;
	s26 =	sadd.s32 $0x88200, s5;
	[dreg:$0x16] =	wrdreg s31  }
0x1c: {  	v2 =	vlaneseq.u32;
	v0 =	vimm.f32 $0.0e+00;
	v3 =	vimm.s32 $0x3;
	s2 =	simm.s32 $0x200;
	s0 =	simm.s32 $0x300;
	[dreg:$0xc] =	wrdreg s1  }
0x1d: {  	v4 =	vimm.s32 $0x0;
	v5 =	vimm.s32 $0x1;
	v6 =	vimm.s32 $0x2;
	s5 =	simm.s32 $0x8;
	s3 =	simm.s32 $0xC;
	[dreg:$0x14] =	wrdreg s25  }
0x1e: {  	v7 =	vimm.s32 $0x4;
	v8 =	vimm.s32 $0x5;
	v9 =	vimm.s32 $0x6;
	s1 =	sadd.s32 s15, s21;
	[dreg:$0x15] =	wrdreg s26;
	s25 =	simm.s32 $0x1B00  }
0x1f: {  	v10 =	vimm.s32 $0x7;
	v11 =	vimm.s32 $0x8;
	v12 =	vimm.s32 $0x9;
	s15 =	simm.s32 $0x700;
	[dreg:$0xd] =	wrdreg s1;
	s1 =	sadd.s32 s17, s12  }
0x20: {  	v13 =	vimm.s32 $0xA;
	v14 =	vimm.s32 $0xB;
	v1 =	vshrl.u32 v2, $0x3;
	s26 =	simm.s32 $0x6300;
	[dreg:$0xe] =	wrdreg s1;
	s1 =	sshll.u32 s20, $0x3  }
0x21: {  	v15 =	vimm.s32 $0xC;
	v16 =	vimm.s32 $0xD;
	v1 =	vmul.u32 $0x8, v1;
	s17 =	simm.s32 $0xA;
	s20 =	simm.s32 $0x5;
	s1 =	sadd.s32 s1, s12  }
0x22: {  	v17 =	vimm.s32 $0xE;
	v18 =	vimm.s32 $0xF;
	v2 =	vand.u32 $0x7, v2;
	s12 =	simm.s32 $0x1F00;
	[dreg:$0x12] =	wrdreg s1;
	s1 =	simm.s32 $0x9  }
.LBB2_1:
0x23: {  	s4 =	simm.s32 $0x0;
	s6 =	simm.s32 $0x200  }
.LBB2_2:
0x24: {  	p0 =	sne.s32 s6, $0xFE00;
	[tilespmem:s4+$0x2370] =	vst v0  }
0x25: {  	[tilespmem:s4+$0x2300] =	vst v0  }
0x26: {  	[tilespmem:s4+$0x2310] =	vst v0  }
.Ltmp0:
0x27: {  	[tilespmem:s4+$0x2320] =	vst v0;
	(pc) =	sbr.rel @p0 .LBB2_2-.Ltmp0, $4  }
0x28: {  	[tilespmem:s4+$0x2330] =	vst v0  }
0x29: {  	[tilespmem:s4+$0x2340] =	vst v0  }
0x2a: {  	[tilespmem:s4+$0x2350] =	vst v0  }
0x2b: {  	[tilespmem:s4+$0x2360] =	vst v0;
	s4 =	sshra.s32 s6, $0x2;
	s6 =	sadd.s32 $0x200, s6  }
0x2c: {  	[tilespmem:s4+$0x2370] =	vst v0  }
0x2d: {  	[tilespmem:s4+$0x2300] =	vst v0  }
0x2e: {  	[tilespmem:s4+$0x2310] =	vst v0  }
0x2f: {  	[tilespmem:s4+$0x2320] =	vst v0;
	s6 =	simm.s32 $0x0  }
0x30: {  	[tilespmem:s4+$0x2330] =	vst v0;
	v19 =	vmov s6  }
0x31: {  	[tilespmem:s4+$0x2340] =	vst v0;
	v19 =	vshll.u32 v19, $0x3  }
0x32: {  	[tilespmem:s4+$0x2350] =	vst v0;
	v19 =	vor.u32 v1, v19  }
0x33: {  	[tilespmem:s4+$0x2360] =	vst v0;
	s4 =	simm.s32 $0x2;
	v19 =	vor.u32 v2, v19  }
.LBB2_4:
0x34: {  	p0 =	sne.s32 s4, $0x7E  }
.Ltmp1:
0x35: {  	_ = 	snop;
	(pc) =	sbr.rel @p0 .LBB2_4-.Ltmp1, $4  }
0x36: {  	v20 =	vmov s4  }
0x37: {  	v20 =	vshll.u32 v20, $0x3  }
0x38: {  	v20 =	vor.u32 v1, v20  }
0x39: {  	s4 =	sadd.s32 $0x2, s4;
	[tilespmem:v19+s25+$0x0] =	vst.idx.msk $0xffff, v0;
	v19 =	vor.u32 v2, v20  }
0x3a: {  	_ =	sdelay $0x3  }
0x3b: {  	[tilespmem:v19+s25+$0x0] =	vst.idx.msk $0xffff, v0;
	s6 =	simm.s32 $0x2300  }
0x3c: {  	[spmem:s10] =	stream.linear.scatter [tilespmem:s6], [sflag:$0xD], $0x4000, $0x38;
	[tilespmem:$0x1F700] =	vst v63  }
0x3d: {  	_ =	swait.ge [sflag:s28], $0x4000  }
0x3e: {  	[sflag:s28] =	ssyncset.done $0x0  }
0x3f: {  	s4 =	rddreg [dreg:$0xa];
	[sflag:s28] =	ssyncadd.s32 $0xFFFFC000  }
0x40: {  	[spmem:s4] =	stream.linear.scatter [tilespmem:s25], [sflag:$0xD], $0x400, $0x38;
	[tilespmem:$0x1F700] =	vst v63  }
0x41: {  	_ =	swait.ge [sflag:s28], $0x400  }
0x42: {  	[sflag:s28] =	ssyncset.done $0x0  }
0x43: {  	s10 =	rddreg [dreg:$0xb];
	[sflag:s28] =	ssyncadd.s32 $0xFFFFFC00  }
0x44: {  	[spmem:s10] =	stream.linear.scatter [tilespmem:s6], [sflag:$0xD], $0x4000, $0x38;
	[tilespmem:$0x1F700] =	vst v63  }
0x45: {  	_ =	swait.ge [sflag:s28], $0x4000  }
0x46: {  	[sflag:s28] =	ssyncset.done $0x0  }
0x47: {  	s31 =	rddreg [dreg:$0xc];
	[sflag:s28] =	ssyncadd.s32 $0xFFFFC000  }
0x48: {  	[spmem:s31] =	stream.linear.scatter [tilespmem:s25], [sflag:$0xD], $0x400, $0x38;
	[tilespmem:$0x1F700] =	vst v63  }
0x49: {  	_ =	swait.ge [sflag:s28], $0x400  }
0x4a: {  	[sflag:s28] =	ssyncset.done $0x0  }
0x4b: {  	s8 =	rddreg [dreg:$0xd];
	[sflag:s28] =	ssyncadd.s32 $0xFFFFFC00  }
0x4c: {  	[spmem:s8] =	stream.linear.scatter [tilespmem:s6], [sflag:$0xD], $0x4000, $0x38;
	[tilespmem:$0x1F700] =	vst v63  }
0x4d: {  	_ =	swait.ge [sflag:s28], $0x4000  }
0x4e: {  	[sflag:s28] =	ssyncset.done $0x0  }
0x4f: {  	s10 =	rddreg [dreg:$0xe];
	[sflag:s28] =	ssyncadd.s32 $0xFFFFC000  }
0x50: {  	[spmem:s10] =	stream.linear.scatter [tilespmem:s25], [sflag:$0xD], $0x400, $0x38;
	[tilespmem:$0x1F700] =	vst v63  }
0x51: {  	_ =	swait.ge [sflag:s28], $0x400  }
0x52: {  	[sflag:s28] =	ssyncset.done $0x0  }
0x53: {  	s31 =	rddreg [dreg:$0xf];
	[sflag:s28] =	ssyncadd.s32 $0xFFFFFC00  }
0x54: {  	[spmem:s31] =	stream.linear.scatter [tilespmem:s6], [sflag:$0xD], $0x4000, $0x38;
	[tilespmem:$0x1F700] =	vst v63  }
0x55: {  	_ =	swait.ge [sflag:s28], $0x4000  }
0x56: {  	[sflag:s28] =	ssyncset.done $0x0  }
0x57: {  	s8 =	rddreg [dreg:$0x10];
	[sflag:s28] =	ssyncadd.s32 $0xFFFFC000  }
0x58: {  	[spmem:s8] =	stream.linear.scatter [tilespmem:s25], [sflag:$0xD], $0x400, $0x38;
	[tilespmem:$0x1F700] =	vst v63  }
0x59: {  	_ =	swait.ge [sflag:s28], $0x400  }
0x5a: {  	[sflag:s28] =	ssyncset.done $0x0  }
0x5b: {  	s10 =	rddreg [dreg:$0x11];
	[sflag:s28] =	ssyncadd.s32 $0xFFFFFC00  }
0x5c: {  	[spmem:s10] =	stream.linear.scatter [tilespmem:s6], [sflag:$0xD], $0x4000, $0x38;
	[tilespmem:$0x1F700] =	vst v63  }
0x5d: {  	_ =	swait.ge [sflag:s28], $0x4000  }
0x5e: {  	[sflag:s28] =	ssyncset.done $0x0  }
0x5f: {  	s31 =	rddreg [dreg:$0x12];
	[sflag:s28] =	ssyncadd.s32 $0xFFFFC000  }
0x60: {  	[spmem:s31] =	stream.linear.scatter [tilespmem:s25], [sflag:$0xD], $0x400, $0x38;
	[tilespmem:$0x1F700] =	vst v63  }
0x61: {  	_ =	swait.ge [sflag:s28], $0x400  }
0x62: {  	[sflag:s28] =	ssyncset.done $0x0  }
0x63: {  	[sflag:s28] =	ssyncadd.s32 $0xFFFFFC00  }
0x64: {  	s4 =	simm.s32 $0x0;
	s6 =	simm.s32 $0x0;
	[bflag:$0x0] =	sbarrier.arrive $0xFFFF  }
.LBB2_6:
0x65: {  	s8 =	sshll.u32 s6, $0x1;
	s10 =	rddreg [dreg:$0x8]  }
0x66: {  	s8 =	sadd.s32 s10, s8  }
0x67: {  	s31 =	smov.u32 s21;
	s21 =	rddreg [dreg:$0x0];
	s10 =	sshll.u32 s8, $0x4  }
0x68: {  	s21 =	sadd.s32 s21, s10  }
0x69: {  	[tilespmem:s4], [sflag:$0xD] =	stream.linear.gather [hbm4b:s21+s4], $0x100, $0x38;
	[tilespmem:$0x1F700] =	vst v63  }
0x6a: {  	_ =	swait.ge [sflag:s28], $0x100  }
0x6b: {  	[sflag:s28] =	ssyncset.done $0x0;
	s21 =	rddreg [dreg:$0x6]  }
0x6c: {  	[sflag:s28] =	ssyncadd.s32 $0xFFFFFF00;
	s10 =	sadd.s32 s21, s10;
	s21 =	simm.s32 $0x100  }
0x6d: {  	[tilespmem:s21], [sflag:$0xD] =	stream.linear.gather [hbm4b:s10+s4], $0x100, $0x38;
	[tilespmem:$0x1F700] =	vst v63  }
0x6e: {  	_ =	swait.ge [sflag:s28], $0x100  }
0x6f: {  	[sflag:s28] =	ssyncset.done $0x0  }
0x70: {  	[sflag:s28] =	ssyncadd.s32 $0xFFFFFF00  }
0x71: {  	v19 =	vld [tilespmem:$0x100]  }
0x72: {  	v20 =	vld [tilespmem:$0x180]  }
0x73: {  	v21 =	vld [tilespmem:$0x110]  }
0x74: {  	v22 =	vld [tilespmem:$0x190]  }
0x75: {  	v23 =	vld [tilespmem:$0x120]  }
0x76: {  	[tilespmem:$0x200] =	vst v19;
	v19 =	vld [tilespmem:$0x1A0]  }
0x77: {  	[tilespmem:$0x280] =	vst v20;
	v20 =	vld [tilespmem:$0x130]  }
0x78: {  	[tilespmem:$0x210] =	vst v21;
	v21 =	vld [tilespmem:$0x1B0]  }
0x79: {  	[tilespmem:$0x290] =	vst v22;
	v22 =	vld [tilespmem:$0x140]  }
0x7a: {  	[tilespmem:$0x220] =	vst v23;
	v23 =	vld [tilespmem:$0x1C0]  }
0x7b: {  	[tilespmem:$0x2A0] =	vst v19;
	v19 =	vld [tilespmem:$0x150]  }
0x7c: {  	[tilespmem:$0x230] =	vst v20;
	v20 =	vld [tilespmem:$0x1D0]  }
0x7d: {  	[tilespmem:$0x2B0] =	vst v21;
	v21 =	vld [tilespmem:$0x160]  }
0x7e: {  	[tilespmem:$0x240] =	vst v22;
	v22 =	vld [tilespmem:$0x1E0]  }
0x7f: {  	[tilespmem:$0x2C0] =	vst v23;
	v23 =	vld [tilespmem:$0x170]  }
0x80: {  	[tilespmem:$0x250] =	vst v19;
	v19 =	vld [tilespmem:$0x1F0]  }
0x81: {  	[tilespmem:$0x2D0] =	vst v20  }
0x82: {  	[tilespmem:$0x260] =	vst v21  }
0x83: {  	[tilespmem:$0x2E0] =	vst v22  }
0x84: {  	[tilespmem:$0x270] =	vst v23  }
0x85: {  	s21 =	simm.s32 $0x2300;
	[tilespmem:$0x2F0] =	vst v19  }
0x86: {  	[tilespmem:s21], [sflag:$0x7] =	stream.indirect.gather [hbm4b:s9+s30], $0x80, s4, s30, $0xb8;
	[tilespmem:$0x1F700] =	vst v63  }
0x87: {  	_ = 	snop  }
0x88: {  	[tilespmem:s26], [sflag:$0x8] =	stream.indirect.gather [hbm4b:s9+s30], $0x80, s30, s30, $0xb8;
	[tilespmem:$0x1F700] =	vst v63  }
0x89: {  	_ = 	snop  }
0x8a: {  	[tilespmem:s0], [sflag:$0x1] =	stream.indirect.gather [hbm4b:s7+s30], $0x8, s2, s30, $0xb8;
	[tilespmem:$0x1F700] =	vst v63  }
0x8b: {  	s10 =	sshll.u32 s8, $0x7;
	s21 =	rddreg [dreg:$0x7]  }
0x8c: {  	[tilespmem:s13], [sflag:$0x3] =	stream.indirect.gather [hbm4b:s7+s30], $0x8, s4, s30, $0xb8;
	[tilespmem:$0x1F700] =	vst v63  }
0x8d: {  	s8 =	simm.s32 $0x1300;
	s21 =	sadd.s32 s21, s10  }
0x8e: {  	[tilespmem:s8], [sflag:$0x5] =	stream.linear.gather [hbm4b:s21+s4], $0x400, $0x38;
	[tilespmem:$0x1F700] =	vst v63  }
0x8f: {  	_ = 	snop  }
0x90: {  	[tilespmem:s15], [sflag:$0x2] =	stream.indirect.gather [hbm4b:s7+s30], $0x8, s14, s30, $0xb8;
	[tilespmem:$0x1F700] =	vst v63  }
0x91: {  	s21 =	rddreg [dreg:$0x13]  }
0x92: {  	[tilespmem:s16], [sflag:$0x4] =	stream.indirect.gather [hbm4b:s7+s30], $0x8, s30, s30, $0xb8;
	[tilespmem:$0x1F700] =	vst v63  }
0x93: {  	s10 =	sadd.s32 s10, s21;
	s21 =	simm.s32 $0x1700  }
0x94: {  	[tilespmem:s21], [sflag:$0x6] =	stream.linear.gather [hbm4b:s10+s4], $0x400, $0x38;
	[tilespmem:$0x1F700] =	vst v63  }
0x95: {  	_ =	swait.ge [sflag:s18], $0x400  }
0x96: {  	v19 =	vmov s4;
	[sflag:s18] =	ssyncset.done $0x0  }
0x97: {  	v19 =	vshll.u32 v19, $0x3;
	[sflag:s18] =	ssyncadd.s32 $0xFFFFFC00  }
0x98: {  	v19 =	vor.u32 v1, v19;
	_ =	swait.ge [sflag:s19], $0x400  }
0x99: {  	v19 =	vor.u32 v2, v19;
	[sflag:s19] =	ssyncset.done $0x0  }
0x9a: {  	[sflag:s19] =	ssyncadd.s32 $0xFFFFFC00  }
0x9b: {  	_ =	swait.ge [sflag:s20], $0x400  }
0x9c: {  	[sflag:s20] =	ssyncset.done $0x0  }
0x9d: {  	[sflag:s20] =	ssyncadd.s32 $0xFFFFFC00  }
0x9e: {  	v20 =	vld.idx.msk [tilespmem:v19+s0+$0x0], $0xffff  }
0x9f: {  	v21 =	vld.idx.msk [tilespmem:v19+s13+$0x0], $0xffff;
	_ =	sdelay $0x2  }
0xa0: {  	v22 =	vld [tilespmem:s8+$0x0];
	_ =	sdelay $0x1  }
0xa1: {  	v20 =	vshll.u32 v20, $0x10;
	v21 =	vand.u32 $0xFFFF0000, v21  }
0xa2: {  	v20 =	vadd.f32 v21, v20;
	_ =	sdelay $0x1  }
0xa3: {  	v20 =	vadd.f32 v20, v22;
	_ =	sdelay $0x1  }
0xa4: {  	v21 =	vmul.f32 $2.000000030e-01, v20;
	_ =	sdelay $0x1  }
0xa5: {  	v20 =	vmax.f32 v20, v21  }
0xa6: {  	v20 =	vmul.f32 $1.442695020e+00, v20;
	_ =	sdelay $0x1  }
0xa7: {  	(erf) = vpow2.f32 v20;
	_ =	sdelay $0x1  }
0xa8: {  	s21 =	simm.s32 $0x2  }
0xa9: {  	v21 =	vmov s21  }
0xaa: {  	s10 =	simm.s32 $0x4;
	v20 =	vshll.u32 v21, $0x3  }
.LBB2_7:
0xab: {  	p0 =	sne.s32 s10, $0x7E;
	v20 =	vor.u32 v1, v20  }
0xac: {  	v20 =	vor.u32 v2, v20;
	_ =	sdelay $0x2  }
0xad: {  	v21 =	vpop (erf)  }
0xae: {  	[tilespmem:v19+s25+$0x0] =	vst.idx.msk $0xffff, v21;
	v19 =	vmov v20  }
0xaf: {  	v21 =	vld.idx.msk [tilespmem:v20+s0+$0x0], $0xffff  }
0xb0: {  	v20 =	vld.idx.msk [tilespmem:v20+s13+$0x0], $0xffff;
	_ =	sdelay $0x2  }
0xb1: {  	s8 =	sadd.s32 $0x10, s8  }
0xb2: {  	v22 =	vld [tilespmem:s8+$0x0];
	_ =	sdelay $0x1  }
0xb3: {  	v21 =	vshll.u32 v21, $0x10;
	v20 =	vand.u32 $0xFFFF0000, v20  }
0xb4: {  	v20 =	vadd.f32 v20, v21;
	_ =	sdelay $0x1  }
0xb5: {  	v20 =	vadd.f32 v20, v22;
	_ =	sdelay $0x1  }
0xb6: {  	v21 =	vmul.f32 $2.000000030e-01, v20;
	_ =	sdelay $0x1  }
0xb7: {  	v20 =	vmax.f32 v20, v21  }
0xb8: {  	v20 =	vmul.f32 $1.442695020e+00, v20;
	_ =	sdelay $0x1  }
.Ltmp2:
0xb9: {  	(erf) = vpow2.f32 v20;
	(pc) =	sbr.rel @p0 .LBB2_7-.Ltmp2, $3  }
0xba: {  	_ =	sdelay $0x1  }
0xbb: {  	v20 =	vmov s10  }
0xbc: {  	s10 =	sadd.s32 $0x2, s10;
	v20 =	vshll.u32 v20, $0x3  }
0xbd: {  	v20 =	vor.u32 v1, v20  }
0xbe: {  	v20 =	vor.u32 v2, v20;
	_ =	sdelay $0x2  }
0xbf: {  	v21 =	vpop (erf)  }
0xc0: {  	[tilespmem:v19+s25+$0x0] =	vst.idx.msk $0xffff, v21  }
0xc1: {  	v19 =	vld.idx.msk [tilespmem:v20+s0+$0x0], $0xffff  }
0xc2: {  	v21 =	vld.idx.msk [tilespmem:v20+s13+$0x0], $0xffff;
	_ =	sdelay $0x1  }
0xc3: {  	s8 =	sadd.s32 $0x10, s8  }
0xc4: {  	v22 =	vld [tilespmem:s8+$0x0];
	_ =	sdelay $0x1  }
0xc5: {  	v19 =	vshll.u32 v19, $0x10;
	v21 =	vand.u32 $0xFFFF0000, v21  }
0xc6: {  	v19 =	vadd.f32 v21, v19;
	_ =	sdelay $0x1  }
0xc7: {  	v19 =	vadd.f32 v19, v22;
	_ =	sdelay $0x1  }
0xc8: {  	v21 =	vmul.f32 $2.000000030e-01, v19;
	_ =	sdelay $0x1  }
0xc9: {  	v19 =	vmax.f32 v19, v21  }
0xca: {  	v19 =	vmul.f32 $1.442695020e+00, v19;
	_ =	sdelay $0x1  }
0xcb: {  	(erf) = vpow2.f32 v19;
	_ =	sdelay $0x5  }
0xcc: {  	s10 =	simm.s32 $0x0  }
0xcd: {  	v19 =	vmov s10  }
0xce: {  	v19 =	vshll.u32 v19, $0x3  }
0xcf: {  	v19 =	vor.u32 v1, v19;
	v21 =	vpop (erf)  }
0xd0: {  	s21 =	rddreg [dreg:$0x3];
	v19 =	vor.u32 v2, v19;
	[tilespmem:v20+s25+$0x0] =	vst.idx.msk $0xffff, v21  }
0xd1: {  	[spmem:s21] =	stream.indirect.scatter.add.f32 [tilespmem:s25], [sflag:$0x9], $0x8, s2, s30, $0xb8;
	[tilespmem:$0x1F700] =	vst v63  }
0xd2: {  	_ =	swait.ge [sflag:s22], $0x4000  }
0xd3: {  	[sflag:s22] =	ssyncset.done $0x0  }
0xd4: {  	[sflag:s22] =	ssyncadd.s32 $0xFFFFC000  }
0xd5: {  	s8 =	simm.s32 $0x2380;
	v19 =	vld.idx.msk [tilespmem:v19+s25+$0x0], $0xffff  }
0xd6: {  	v20 =	vld [tilespmem:s8+$0xFFFFFFB0]  }
0xd7: {  	v22 =	vld [tilespmem:s8+$0xFFFFFF80]  }
0xd8: {  	v21 =	vld [tilespmem:s8+$0xFFFFFF90]  }
0xd9: {  	v23 =	vld [tilespmem:s8+$0xFFFFFFA0]  }
0xda: {  	v24 =	vld [tilespmem:s8+$0xFFFFFFF0];
	v25 =	vperm.xlane v19, v4  }
0xdb: {  	v27 =	vld [tilespmem:s8+$0xFFFFFFD0];
	v26 =	vperm.xlane v19, v5;
	v28 =	vperm.xlane v19, v6  }
0xdc: {  	v30 =	vld [tilespmem:s8+$0xFFFFFFC0];
	v29 =	vperm.xlane v19, v3;
	v22 =	vmul.f32 v25, v22  }
0xdd: {  	v32 =	vld [tilespmem:s8+$0x0];
	v31 =	vperm.xlane v19, v10;
	v21 =	vmul.f32 v26, v21  }
0xde: {  	v25 =	vld [tilespmem:s8+$0xFFFFFFE0];
	v23 =	vmul.f32 v28, v23;
	v26 =	vperm.xlane v19, v8;
	[tilespmem:s8+$0xFFFFFF80] =	vst v22  }
0xdf: {  	v20 =	vmul.f32 v29, v20;
	v28 =	vld [tilespmem:s8+$0x30];
	v22 =	vperm.xlane v19, v7;
	[tilespmem:s8+$0xFFFFFF90] =	vst v21  }
0xe0: {  	v29 =	vld [tilespmem:s8+$0x10];
	[tilespmem:s8+$0xFFFFFFA0] =	vst v23;
	v23 =	vmul.f32 v26, v27  }
0xe1: {  	v24 =	vmul.f32 v31, v24;
	v26 =	vld [tilespmem:s8+$0x20];
	[tilespmem:s8+$0xFFFFFFB0] =	vst v20;
	v22 =	vmul.f32 v22, v30  }
0xe2: {  	v31 =	vperm.xlane v19, v14;
	v21 =	vperm.xlane v19, v9;
	v20 =	vld [tilespmem:s8+$0x70];
	[tilespmem:s8+$0xFFFFFFD0] =	vst v23  }
0xe3: {  	v27 =	vperm.xlane v19, v12;
	v23 =	vld [tilespmem:s8+$0x40];
	[tilespmem:s8+$0xFFFFFFC0] =	vst v22;
	v22 =	vperm.xlane v19, v11  }
0xe4: {  	v30 =	vperm.xlane v19, v13;
	v25 =	vmul.f32 v21, v25;
	v21 =	vld [tilespmem:s8+$0x50]  }
0xe5: {  	[tilespmem:s8+$0xFFFFFFF0] =	vst v24;
	v24 =	vmul.f32 v31, v28;
	v32 =	vmul.f32 v22, v32;
	v22 =	vld [tilespmem:s8+$0x60]  }
0xe6: {  	s10 =	simm.s32 $0x2;
	v28 =	vperm.xlane v19, v15;
	[tilespmem:s8+$0xFFFFFFE0] =	vst v25;
	v25 =	vmul.f32 v27, v29  }
0xe7: {  	s21 =	smov.u32 s31;
	v26 =	vmul.f32 v30, v26;
	v29 =	vmov s10;
	s10 =	simm.s32 $0x4;
	v27 =	vperm.xlane v19, v16;
	[tilespmem:s8+$0x0] =	vst v32  }
.LBB2_9:
0xe8: {  	p0 =	sne.s32 s10, $0x7E;
	v29 =	vshll.u32 v29, $0x3;
	[tilespmem:s8+$0x10] =	vst v25;
	v25 =	vperm.xlane v19, v17;
	v19 =	vperm.xlane v19, v18  }
0xe9: {  	v29 =	vor.u32 v1, v29;
	[tilespmem:s8+$0x20] =	vst v26;
	v23 =	vmul.f32 v28, v23;
	v21 =	vmul.f32 v27, v21  }
0xea: {  	v26 =	vor.u32 v2, v29;
	[tilespmem:s8+$0x30] =	vst v24;
	v22 =	vmul.f32 v25, v22;
	v19 =	vmul.f32 v19, v20  }
0xeb: {  	[tilespmem:s8+$0x40] =	vst v23  }
0xec: {  	[tilespmem:s8+$0x50] =	vst v21  }
0xed: {  	[tilespmem:s8+$0x60] =	vst v22  }
0xee: {  	[tilespmem:s8+$0x70] =	vst v19  }
0xef: {  	s8 =	sadd.s32 $0x100, s8;
	v19 =	vld.idx.msk [tilespmem:v26+s25+$0x0], $0xffff  }
0xf0: {  	v20 =	vld [tilespmem:s8+$0xFFFFFFB0]  }
0xf1: {  	v21 =	vld [tilespmem:s8+$0xFFFFFF90]  }
0xf2: {  	v22 =	vld [tilespmem:s8+$0xFFFFFF80]  }
0xf3: {  	v23 =	vld [tilespmem:s8+$0xFFFFFFA0]  }
0xf4: {  	v24 =	vld [tilespmem:s8+$0xFFFFFFF0]  }
0xf5: {  	v25 =	vperm.xlane v19, v4;
	v26 =	vperm.xlane v19, v5;
	v27 =	vld [tilespmem:s8+$0xFFFFFFD0]  }
0xf6: {  	v28 =	vperm.xlane v19, v6;
	v29 =	vperm.xlane v19, v3;
	v30 =	vld [tilespmem:s8+$0xFFFFFFC0]  }
0xf7: {  	v21 =	vmul.f32 v26, v21;
	v22 =	vmul.f32 v25, v22;
	v25 =	vld [tilespmem:s8+$0xFFFFFFE0]  }
0xf8: {  	v20 =	vmul.f32 v29, v20;
	v23 =	vmul.f32 v28, v23;
	v28 =	vld [tilespmem:s8+$0x30]  }
0xf9: {  	v26 =	vperm.xlane v19, v8;
	[tilespmem:s8+$0xFFFFFF80] =	vst v22;
	v22 =	vperm.xlane v19, v7;
	v29 =	vld [tilespmem:s8+$0x10]  }
0xfa: {  	v31 =	vperm.xlane v19, v10;
	[tilespmem:s8+$0xFFFFFF90] =	vst v21;
	v21 =	vperm.xlane v19, v9;
	v32 =	vld [tilespmem:s8+$0x0]  }
0xfb: {  	[tilespmem:s8+$0xFFFFFFA0] =	vst v23;
	v22 =	vmul.f32 v22, v30;
	v23 =	vmul.f32 v26, v27;
	v26 =	vld [tilespmem:s8+$0x20]  }
0xfc: {  	v24 =	vmul.f32 v31, v24;
	[tilespmem:s8+$0xFFFFFFB0] =	vst v20;
	v25 =	vmul.f32 v21, v25;
	v20 =	vld [tilespmem:s8+$0x70]  }
.Ltmp3:
0xfd: {  	v27 =	vperm.xlane v19, v12;
	[tilespmem:s8+$0xFFFFFFC0] =	vst v22;
	v22 =	vperm.xlane v19, v11;
	v21 =	vld [tilespmem:s8+$0x50];
	(pc) =	sbr.rel @p0 .LBB2_9-.Ltmp3, $4  }
0xfe: {  	v31 =	vperm.xlane v19, v14;
	v30 =	vperm.xlane v19, v13;
	[tilespmem:s8+$0xFFFFFFD0] =	vst v23;
	v23 =	vld [tilespmem:s8+$0x40]  }
0xff: {  	[tilespmem:s8+$0xFFFFFFE0] =	vst v25;
	v32 =	vmul.f32 v22, v32;
	v25 =	vmul.f32 v27, v29;
	v22 =	vld [tilespmem:s8+$0x60]  }
0x100: {  	[tilespmem:s8+$0xFFFFFFF0] =	vst v24;
	v26 =	vmul.f32 v30, v26;
	v24 =	vmul.f32 v31, v28  }
0x101: {  	v29 =	vmov s10;
	s10 =	sadd.s32 $0x2, s10;
	v27 =	vperm.xlane v19, v16;
	v28 =	vperm.xlane v19, v15;
	[tilespmem:s8+$0x0] =	vst v32  }
0x102: {  	v29 =	vshll.u32 v29, $0x3;
	[tilespmem:s8+$0x10] =	vst v25  }
0x103: {  	v44 =	vperm.xlane v19, v17;
	[tilespmem:s8+$0x20] =	vst v26;
	v29 =	vor.u32 v1, v29;
	v23 =	vmul.f32 v28, v23  }
0x104: {  	v19 =	vperm.xlane v19, v18;
	[tilespmem:s8+$0x30] =	vst v24;
	v21 =	vmul.f32 v27, v21;
	v45 =	vor.u32 v2, v29  }
0x105: {  	v22 =	vmul.f32 v44, v22;
	[tilespmem:s8+$0x40] =	vst v23  }
0x106: {  	v19 =	vmul.f32 v19, v20;
	[tilespmem:s8+$0x50] =	vst v21  }
0x107: {  	[tilespmem:s8+$0x60] =	vst v22  }
0x108: {  	[tilespmem:s8+$0x70] =	vst v19  }
0x109: {  	v19 =	vld.idx.msk [tilespmem:v45+s25+$0x0], $0xffff  }
0x10a: {  	s10 =	sadd.s32 $0x100, s8  }
0x10b: {  	v20 =	vld [tilespmem:s10+$0xFFFFFF80]  }
0x10c: {  	v21 =	vld [tilespmem:s10+$0xFFFFFF90]  }
0x10d: {  	v22 =	vld [tilespmem:s10+$0xFFFFFFA0]  }
0x10e: {  	v23 =	vld [tilespmem:s10+$0xFFFFFFB0];
	v46 =	vperm.xlane v19, v4  }
0x10f: {  	v48 =	vld [tilespmem:s10+$0xFFFFFFC0];
	v47 =	vperm.xlane v19, v5  }
0x110: {  	v49 =	vld [tilespmem:s10+$0xFFFFFFD0];
	v50 =	vperm.xlane v19, v6;
	v20 =	vmul.f32 v46, v20  }
0x111: {  	v52 =	vld [tilespmem:s10+$0xFFFFFFE0];
	v51 =	vperm.xlane v19, v3;
	v21 =	vmul.f32 v47, v21  }
0x112: {  	v53 =	vld [tilespmem:s10+$0xFFFFFFF0];
	v22 =	vmul.f32 v50, v22;
	[tilespmem:s10+$0xFFFFFF80] =	vst v20;
	v20 =	vperm.xlane v19, v7  }
0x113: {  	v54 =	vperm.xlane v19, v8;
	v23 =	vmul.f32 v51, v23;
	[tilespmem:s10+$0xFFFFFF90] =	vst v21;
	v21 =	vld [tilespmem:s10+$0x0]  }
0x114: {  	v55 =	vld [tilespmem:s10+$0x10];
	v30 =	vperm.xlane v19, v9;
	[tilespmem:s10+$0xFFFFFFA0] =	vst v22;
	v20 =	vmul.f32 v20, v48  }
0x115: {  	v56 =	vld [tilespmem:s10+$0x20];
	v24 =	vmul.f32 v54, v49;
	v22 =	vperm.xlane v19, v10;
	[tilespmem:s10+$0xFFFFFFB0] =	vst v23  }
0x116: {  	v25 =	vmul.f32 v30, v52;
	v23 =	vld [tilespmem:s10+$0x30];
	[tilespmem:s10+$0xFFFFFFC0] =	vst v20;
	v20 =	vperm.xlane v19, v11  }
0x117: {  	v58 =	vld [tilespmem:s10+$0x40];
	v57 =	vperm.xlane v19, v12;
	[tilespmem:s10+$0xFFFFFFD0] =	vst v24;
	v22 =	vmul.f32 v22, v53  }
0x118: {  	v59 =	vld [tilespmem:s10+$0x50];
	v60 =	vperm.xlane v19, v13;
	[tilespmem:s10+$0xFFFFFFE0] =	vst v25;
	v20 =	vmul.f32 v20, v21  }
0x119: {  	v62 =	vld [tilespmem:s10+$0x60];
	v61 =	vmul.f32 v57, v55;
	[tilespmem:s10+$0xFFFFFFF0] =	vst v22;
	v21 =	vperm.xlane v19, v14  }
0x11a: {  	v26 =	vmul.f32 v60, v56;
	v22 =	vld [tilespmem:s10+$0x70];
	[tilespmem:s10+$0x0] =	vst v20;
	v20 =	vperm.xlane v19, v15  }
0x11b: {  	[tilespmem:s10+$0x10] =	vst v61;
	v21 =	vmul.f32 v21, v23;
	v23 =	vperm.xlane v19, v16  }
0x11c: {  	v63 =	vperm.xlane v19, v17;
	[tilespmem:s10+$0x20] =	vst v26;
	v20 =	vmul.f32 v20, v58  }
0x11d: {  	v19 =	vperm.xlane v19, v18;
	v23 =	vmul.f32 v23, v59;
	[tilespmem:s10+$0x30] =	vst v21  }
0x11e: {  	v21 =	vmul.f32 v63, v62;
	[tilespmem:s10+$0x40] =	vst v20  }
0x11f: {  	v19 =	vmul.f32 v19, v22;
	[tilespmem:s10+$0x50] =	vst v23  }
0x120: {  	[tilespmem:s10+$0x60] =	vst v21  }
0x121: {  	[tilespmem:s10+$0x70] =	vst v19;
	s10 =	simm.s32 $0x2300  }
0x122: {  	[spmem:s21] =	stream.indirect.scatter.add.f32 [tilespmem:s10], [sflag:$0xB], $0x80, s2, s30, $0xb8;
	[tilespmem:$0x1F700] =	vst v63  }
0x123: {  	s10 =	simm.s32 $0x0;
	_ =	swait.ge [sflag:s23], $0x400  }
0x124: {  	v19 =	vmov s10;
	[sflag:s23] =	ssyncset.done $0x0  }
0x125: {  	v19 =	vshll.u32 v19, $0x3;
	[sflag:s23] =	ssyncadd.s32 $0xFFFFFC00  }
0x126: {  	v19 =	vor.u32 v1, v19;
	_ =	swait.ge [sflag:s24], $0x400  }
0x127: {  	v19 =	vor.u32 v2, v19;
	[sflag:s24] =	ssyncset.done $0x0  }
0x128: {  	[sflag:s24] =	ssyncadd.s32 $0xFFFFFC00  }
0x129: {  	_ =	swait.ge [sflag:s11], $0x400  }
0x12a: {  	[sflag:s11] =	ssyncset.done $0x0  }
0x12b: {  	[sflag:s11] =	ssyncadd.s32 $0xFFFFFC00  }
0x12c: {  	v20 =	vld.idx.msk [tilespmem:v19+s15+$0x0], $0xffff  }
0x12d: {  	v21 =	vld.idx.msk [tilespmem:v19+s16+$0x0], $0xffff;
	_ =	sdelay $0x1  }
0x12e: {  	s8 =	simm.s32 $0x1700  }
0x12f: {  	v22 =	vld [tilespmem:s8+$0x0];
	_ =	sdelay $0x1  }
0x130: {  	v20 =	vshll.u32 v20, $0x10;
	v21 =	vand.u32 $0xFFFF0000, v21  }
0x131: {  	v20 =	vadd.f32 v21, v20;
	_ =	sdelay $0x1  }
0x132: {  	v20 =	vadd.f32 v20, v22;
	_ =	sdelay $0x1  }
0x133: {  	v21 =	vmul.f32 $2.000000030e-01, v20;
	_ =	sdelay $0x1  }
0x134: {  	v20 =	vmax.f32 v20, v21  }
0x135: {  	v20 =	vmul.f32 $1.442695020e+00, v20;
	_ =	sdelay $0x1  }
0x136: {  	(erf) = vpow2.f32 v20;
	_ =	sdelay $0x1  }
0x137: {  	s10 =	simm.s32 $0x2  }
0x138: {  	v21 =	vmov s10  }
0x139: {  	s31 =	simm.s32 $0x6300;
	s10 =	simm.s32 $0x4;
	v20 =	vshll.u32 v21, $0x3  }
.LBB2_11:
0x13a: {  	p0 =	sne.s32 s10, $0x7E;
	v20 =	vor.u32 v1, v20  }
0x13b: {  	v20 =	vor.u32 v2, v20;
	_ =	sdelay $0x2  }
0x13c: {  	v21 =	vpop (erf)  }
0x13d: {  	[tilespmem:v19+s12+$0x0] =	vst.idx.msk $0xffff, v21;
	v19 =	vmov v20  }
0x13e: {  	v21 =	vld.idx.msk [tilespmem:v20+s15+$0x0], $0xffff  }
0x13f: {  	v20 =	vld.idx.msk [tilespmem:v20+s16+$0x0], $0xffff;
	_ =	sdelay $0x2  }
0x140: {  	s8 =	sadd.s32 $0x10, s8  }
0x141: {  	v22 =	vld [tilespmem:s8+$0x0];
	_ =	sdelay $0x1  }
0x142: {  	v21 =	vshll.u32 v21, $0x10;
	v20 =	vand.u32 $0xFFFF0000, v20  }
0x143: {  	v20 =	vadd.f32 v20, v21;
	_ =	sdelay $0x1  }
0x144: {  	v20 =	vadd.f32 v20, v22;
	_ =	sdelay $0x1  }
0x145: {  	v21 =	vmul.f32 $2.000000030e-01, v20;
	_ =	sdelay $0x1  }
0x146: {  	v20 =	vmax.f32 v20, v21  }
0x147: {  	v20 =	vmul.f32 $1.442695020e+00, v20;
	_ =	sdelay $0x1  }
.Ltmp4:
0x148: {  	(erf) = vpow2.f32 v20;
	(pc) =	sbr.rel @p0 .LBB2_11-.Ltmp4, $3  }
0x149: {  	_ =	sdelay $0x1  }
0x14a: {  	v20 =	vmov s10  }
0x14b: {  	s10 =	sadd.s32 $0x2, s10;
	v20 =	vshll.u32 v20, $0x3  }
0x14c: {  	v20 =	vor.u32 v1, v20  }
0x14d: {  	v20 =	vor.u32 v2, v20;
	_ =	sdelay $0x2  }
0x14e: {  	v21 =	vpop (erf)  }
0x14f: {  	[tilespmem:v19+s12+$0x0] =	vst.idx.msk $0xffff, v21  }
0x150: {  	v19 =	vld.idx.msk [tilespmem:v20+s15+$0x0], $0xffff  }
0x151: {  	v21 =	vld.idx.msk [tilespmem:v20+s16+$0x0], $0xffff;
	_ =	sdelay $0x1  }
0x152: {  	s8 =	sadd.s32 $0x10, s8  }
0x153: {  	v22 =	vld [tilespmem:s8+$0x0];
	_ =	sdelay $0x1  }
0x154: {  	v19 =	vshll.u32 v19, $0x10;
	v21 =	vand.u32 $0xFFFF0000, v21  }
0x155: {  	v19 =	vadd.f32 v21, v19;
	_ =	sdelay $0x1  }
0x156: {  	v19 =	vadd.f32 v19, v22;
	_ =	sdelay $0x1  }
0x157: {  	v21 =	vmul.f32 $2.000000030e-01, v19;
	_ =	sdelay $0x1  }
0x158: {  	v19 =	vmax.f32 v19, v21  }
0x159: {  	v19 =	vmul.f32 $1.442695020e+00, v19;
	_ =	sdelay $0x1  }
0x15a: {  	(erf) = vpow2.f32 v19;
	_ =	sdelay $0x5  }
0x15b: {  	s10 =	simm.s32 $0x0  }
0x15c: {  	v19 =	vmov s10  }
0x15d: {  	v19 =	vshll.u32 v19, $0x3  }
0x15e: {  	v19 =	vor.u32 v1, v19;
	v21 =	vpop (erf)  }
0x15f: {  	s10 =	rddreg [dreg:$0x3];
	v19 =	vor.u32 v2, v19;
	[tilespmem:v20+s12+$0x0] =	vst.idx.msk $0xffff, v21  }
0x160: {  	[spmem:s10] =	stream.indirect.scatter.add.f32 [tilespmem:s12], [sflag:$0xA], $0x8, s14, s30, $0xb8;
	[tilespmem:$0x1F700] =	vst v63  }
0x161: {  	_ =	swait.ge [sflag:s5], $0x4000  }
0x162: {  	[sflag:s5] =	ssyncset.done $0x0  }
0x163: {  	[sflag:s5] =	ssyncadd.s32 $0xFFFFC000  }
0x164: {  	s8 =	simm.s32 $0x6380;
	v19 =	vld.idx.msk [tilespmem:v19+s12+$0x0], $0xffff  }
0x165: {  	v20 =	vld [tilespmem:s8+$0xFFFFFFB0]  }
0x166: {  	v22 =	vld [tilespmem:s8+$0xFFFFFF80]  }
0x167: {  	v21 =	vld [tilespmem:s8+$0xFFFFFF90]  }
0x168: {  	v23 =	vld [tilespmem:s8+$0xFFFFFFA0]  }
0x169: {  	v24 =	vld [tilespmem:s8+$0xFFFFFFF0];
	v25 =	vperm.xlane v19, v4  }
0x16a: {  	v27 =	vld [tilespmem:s8+$0xFFFFFFD0];
	v26 =	vperm.xlane v19, v5;
	v28 =	vperm.xlane v19, v6  }
0x16b: {  	v30 =	vld [tilespmem:s8+$0xFFFFFFC0];
	v29 =	vperm.xlane v19, v3;
	v22 =	vmul.f32 v25, v22  }
0x16c: {  	v32 =	vld [tilespmem:s8+$0x0];
	v31 =	vperm.xlane v19, v10;
	v21 =	vmul.f32 v26, v21  }
0x16d: {  	v25 =	vld [tilespmem:s8+$0xFFFFFFE0];
	v23 =	vmul.f32 v28, v23;
	v26 =	vperm.xlane v19, v8;
	[tilespmem:s8+$0xFFFFFF80] =	vst v22  }
0x16e: {  	v20 =	vmul.f32 v29, v20;
	v28 =	vld [tilespmem:s8+$0x30];
	v22 =	vperm.xlane v19, v7;
	[tilespmem:s8+$0xFFFFFF90] =	vst v21  }
0x16f: {  	v29 =	vld [tilespmem:s8+$0x10];
	[tilespmem:s8+$0xFFFFFFA0] =	vst v23;
	v23 =	vmul.f32 v26, v27  }
0x170: {  	v24 =	vmul.f32 v31, v24;
	v26 =	vld [tilespmem:s8+$0x20];
	[tilespmem:s8+$0xFFFFFFB0] =	vst v20;
	v22 =	vmul.f32 v22, v30  }
0x171: {  	v31 =	vperm.xlane v19, v14;
	v21 =	vperm.xlane v19, v9;
	v20 =	vld [tilespmem:s8+$0x70];
	[tilespmem:s8+$0xFFFFFFD0] =	vst v23  }
0x172: {  	v27 =	vperm.xlane v19, v12;
	v23 =	vld [tilespmem:s8+$0x40];
	[tilespmem:s8+$0xFFFFFFC0] =	vst v22;
	v22 =	vperm.xlane v19, v11  }
0x173: {  	v30 =	vperm.xlane v19, v13;
	v25 =	vmul.f32 v21, v25;
	v21 =	vld [tilespmem:s8+$0x50]  }
0x174: {  	[tilespmem:s8+$0xFFFFFFF0] =	vst v24;
	v24 =	vmul.f32 v31, v28;
	v32 =	vmul.f32 v22, v32;
	v22 =	vld [tilespmem:s8+$0x60]  }
0x175: {  	s10 =	simm.s32 $0x2;
	v28 =	vperm.xlane v19, v15;
	[tilespmem:s8+$0xFFFFFFE0] =	vst v25;
	v25 =	vmul.f32 v27, v29  }
0x176: {  	v26 =	vmul.f32 v30, v26;
	v29 =	vmov s10;
	s10 =	simm.s32 $0x4;
	v27 =	vperm.xlane v19, v16;
	[tilespmem:s8+$0x0] =	vst v32  }
.LBB2_13:
0x177: {  	p0 =	sne.s32 s10, $0x7E;
	v29 =	vshll.u32 v29, $0x3;
	[tilespmem:s8+$0x10] =	vst v25;
	v25 =	vperm.xlane v19, v17;
	v19 =	vperm.xlane v19, v18  }
0x178: {  	v29 =	vor.u32 v1, v29;
	[tilespmem:s8+$0x20] =	vst v26;
	v23 =	vmul.f32 v28, v23;
	v21 =	vmul.f32 v27, v21  }
0x179: {  	v26 =	vor.u32 v2, v29;
	[tilespmem:s8+$0x30] =	vst v24;
	v22 =	vmul.f32 v25, v22;
	v19 =	vmul.f32 v19, v20  }
0x17a: {  	[tilespmem:s8+$0x40] =	vst v23  }
0x17b: {  	[tilespmem:s8+$0x50] =	vst v21  }
0x17c: {  	[tilespmem:s8+$0x60] =	vst v22  }
0x17d: {  	[tilespmem:s8+$0x70] =	vst v19  }
0x17e: {  	s8 =	sadd.s32 $0x100, s8;
	v19 =	vld.idx.msk [tilespmem:v26+s12+$0x0], $0xffff  }
0x17f: {  	v20 =	vld [tilespmem:s8+$0xFFFFFFB0]  }
0x180: {  	v21 =	vld [tilespmem:s8+$0xFFFFFF90]  }
0x181: {  	v22 =	vld [tilespmem:s8+$0xFFFFFF80]  }
0x182: {  	v23 =	vld [tilespmem:s8+$0xFFFFFFA0]  }
0x183: {  	v24 =	vld [tilespmem:s8+$0xFFFFFFF0]  }
0x184: {  	v25 =	vperm.xlane v19, v4;
	v26 =	vperm.xlane v19, v5;
	v27 =	vld [tilespmem:s8+$0xFFFFFFD0]  }
0x185: {  	v28 =	vperm.xlane v19, v6;
	v29 =	vperm.xlane v19, v3;
	v30 =	vld [tilespmem:s8+$0xFFFFFFC0]  }
0x186: {  	v21 =	vmul.f32 v26, v21;
	v22 =	vmul.f32 v25, v22;
	v25 =	vld [tilespmem:s8+$0xFFFFFFE0]  }
0x187: {  	v20 =	vmul.f32 v29, v20;
	v23 =	vmul.f32 v28, v23;
	v28 =	vld [tilespmem:s8+$0x30]  }
0x188: {  	v26 =	vperm.xlane v19, v8;
	[tilespmem:s8+$0xFFFFFF80] =	vst v22;
	v22 =	vperm.xlane v19, v7;
	v29 =	vld [tilespmem:s8+$0x10]  }
0x189: {  	v31 =	vperm.xlane v19, v10;
	[tilespmem:s8+$0xFFFFFF90] =	vst v21;
	v21 =	vperm.xlane v19, v9;
	v32 =	vld [tilespmem:s8+$0x0]  }
0x18a: {  	[tilespmem:s8+$0xFFFFFFA0] =	vst v23;
	v22 =	vmul.f32 v22, v30;
	v23 =	vmul.f32 v26, v27;
	v26 =	vld [tilespmem:s8+$0x20]  }
0x18b: {  	v24 =	vmul.f32 v31, v24;
	[tilespmem:s8+$0xFFFFFFB0] =	vst v20;
	v25 =	vmul.f32 v21, v25;
	v20 =	vld [tilespmem:s8+$0x70]  }
.Ltmp5:
0x18c: {  	v27 =	vperm.xlane v19, v12;
	[tilespmem:s8+$0xFFFFFFC0] =	vst v22;
	v22 =	vperm.xlane v19, v11;
	v21 =	vld [tilespmem:s8+$0x50];
	(pc) =	sbr.rel @p0 .LBB2_13-.Ltmp5, $4  }
0x18d: {  	v31 =	vperm.xlane v19, v14;
	v30 =	vperm.xlane v19, v13;
	[tilespmem:s8+$0xFFFFFFD0] =	vst v23;
	v23 =	vld [tilespmem:s8+$0x40]  }
0x18e: {  	[tilespmem:s8+$0xFFFFFFE0] =	vst v25;
	v32 =	vmul.f32 v22, v32;
	v25 =	vmul.f32 v27, v29;
	v22 =	vld [tilespmem:s8+$0x60]  }
0x18f: {  	[tilespmem:s8+$0xFFFFFFF0] =	vst v24;
	v26 =	vmul.f32 v30, v26;
	v24 =	vmul.f32 v31, v28  }
0x190: {  	v29 =	vmov s10;
	s10 =	sadd.s32 $0x2, s10;
	v27 =	vperm.xlane v19, v16;
	v28 =	vperm.xlane v19, v15;
	[tilespmem:s8+$0x0] =	vst v32  }
0x191: {  	v29 =	vshll.u32 v29, $0x3;
	[tilespmem:s8+$0x10] =	vst v25  }
0x192: {  	v34 =	vperm.xlane v19, v17;
	[tilespmem:s8+$0x20] =	vst v26;
	v29 =	vor.u32 v1, v29;
	v23 =	vmul.f32 v28, v23  }
0x193: {  	v19 =	vperm.xlane v19, v18;
	[tilespmem:s8+$0x30] =	vst v24;
	v21 =	vmul.f32 v27, v21;
	v35 =	vor.u32 v2, v29  }
0x194: {  	v22 =	vmul.f32 v34, v22;
	[tilespmem:s8+$0x40] =	vst v23  }
0x195: {  	v19 =	vmul.f32 v19, v20;
	[tilespmem:s8+$0x50] =	vst v21  }
0x196: {  	[tilespmem:s8+$0x60] =	vst v22  }
0x197: {  	[tilespmem:s8+$0x70] =	vst v19  }
0x198: {  	v19 =	vld.idx.msk [tilespmem:v35+s12+$0x0], $0xffff  }
0x199: {  	s10 =	sadd.s32 $0x100, s8  }
0x19a: {  	v20 =	vld [tilespmem:s10+$0xFFFFFF80]  }
0x19b: {  	v36 =	vld [tilespmem:s10+$0xFFFFFF90]  }
0x19c: {  	v37 =	vld [tilespmem:s10+$0xFFFFFFA0]  }
0x19d: {  	v38 =	vld [tilespmem:s10+$0xFFFFFFB0];
	v39 =	vperm.xlane v19, v4  }
0x19e: {  	v42 =	vld [tilespmem:s10+$0xFFFFFFD0];
	v40 =	vperm.xlane v19, v5  }
0x19f: {  	v45 =	vld [tilespmem:s10+$0xFFFFFFE0];
	v43 =	vperm.xlane v19, v6;
	v20 =	vmul.f32 v39, v20  }
0x1a0: {  	v41 =	vld [tilespmem:s10+$0xFFFFFFC0];
	v44 =	vperm.xlane v19, v3;
	v21 =	vmul.f32 v40, v36  }
0x1a1: {  	v49 =	vld [tilespmem:s10+$0x10];
	v47 =	vperm.xlane v19, v8;
	v22 =	vmul.f32 v43, v37;
	[tilespmem:s10+$0xFFFFFF80] =	vst v20  }
0x1a2: {  	v51 =	vld [tilespmem:s10+$0x20];
	v30 =	vperm.xlane v19, v9;
	v23 =	vmul.f32 v44, v38;
	[tilespmem:s10+$0xFFFFFF90] =	vst v21  }
0x1a3: {  	v59 =	vld [tilespmem:s10+$0x60];
	v24 =	vmul.f32 v47, v42;
	v20 =	vperm.xlane v19, v7;
	[tilespmem:s10+$0xFFFFFFA0] =	vst v22  }
0x1a4: {  	v48 =	vld [tilespmem:s10+$0x0];
	v53 =	vperm.xlane v19, v12;
	v25 =	vmul.f32 v30, v45;
	[tilespmem:s10+$0xFFFFFFB0] =	vst v23  }
0x1a5: {  	v46 =	vld [tilespmem:s10+$0xFFFFFFF0];
	v56 =	vperm.xlane v19, v13;
	[tilespmem:s10+$0xFFFFFFD0] =	vst v24;
	v20 =	vmul.f32 v20, v41  }
0x1a6: {  	v52 =	vld [tilespmem:s10+$0x30];
	v62 =	vperm.xlane v19, v17;
	v58 =	vmul.f32 v53, v49;
	[tilespmem:s10+$0xFFFFFFE0] =	vst v25  }
0x1a7: {  	v55 =	vld [tilespmem:s10+$0x50];
	v26 =	vmul.f32 v56, v51;
	[tilespmem:s10+$0xFFFFFFC0] =	vst v20;
	v20 =	vperm.xlane v19, v11  }
0x1a8: {  	v54 =	vld [tilespmem:s10+$0x40];
	v50 =	vperm.xlane v19, v10;
	v63 =	vmul.f32 v62, v59;
	[tilespmem:s10+$0x10] =	vst v58  }
0x1a9: {  	v60 =	vld [tilespmem:s10+$0x70];
	v57 =	vperm.xlane v19, v14;
	[tilespmem:s10+$0x20] =	vst v26;
	v20 =	vmul.f32 v20, v48  }
0x1aa: {  	v61 =	vperm.xlane v19, v16;
	v22 =	vmul.f32 v50, v46;
	[tilespmem:s10+$0x60] =	vst v63  }
0x1ab: {  	v21 =	vmul.f32 v57, v52;
	[tilespmem:s10+$0x0] =	vst v20;
	v20 =	vperm.xlane v19, v15  }
0x1ac: {  	v23 =	vmul.f32 v61, v55;
	[tilespmem:s10+$0xFFFFFFF0] =	vst v22;
	v19 =	vperm.xlane v19, v18  }
0x1ad: {  	[tilespmem:s10+$0x30] =	vst v21;
	v20 =	vmul.f32 v20, v54  }
0x1ae: {  	[tilespmem:s10+$0x50] =	vst v23;
	v19 =	vmul.f32 v19, v60  }
0x1af: {  	[tilespmem:s10+$0x40] =	vst v20  }
0x1b0: {  	[tilespmem:s10+$0x70] =	vst v19  }
0x1b1: {  	[spmem:s21] =	stream.indirect.scatter.add.f32 [tilespmem:s31], [sflag:$0xC], $0x80, s14, s30, $0xb8;
	[tilespmem:$0x1F700] =	vst v63  }
0x1b2: {  	_ =	swait.ge [sflag:s1], $0x400  }
0x1b3: {  	[sflag:s1] =	ssyncset.done $0x0  }
0x1b4: {  	[sflag:s1] =	ssyncadd.s32 $0xFFFFFC00  }
0x1b5: {  	_ =	swait.ge [sflag:s29], $0x4000  }
0x1b6: {  	[sflag:s29] =	ssyncset.done $0x0  }
0x1b7: {  	s6 =	sadd.s32 $0x1, s6;
	[sflag:s29] =	ssyncadd.s32 $0xFFFFC000  }
0x1b8: {  	p0 =	sne.s32 s6, $0x29;
	_ =	swait.ge [sflag:s17], $0x400  }
.Ltmp6:
0x1b9: {  	[sflag:s17] =	ssyncset.done $0x0;
	(pc) =	sbr.rel @p0 .LBB2_6-.Ltmp6, $4  }
0x1ba: {  	[sflag:s17] =	ssyncadd.s32 $0xFFFFFC00  }
0x1bb: {  	_ =	swait.ge [sflag:s3], $0x4000  }
0x1bc: {  	[sflag:s3] =	ssyncset.done $0x0  }
0x1bd: {  	[sflag:s3] =	ssyncadd.s32 $0xFFFFC000  }
0x1be: {  	s4 =	stileid.u32;
	[bflag:$0x0] =	sbarrier.arrive $0xFFFF  }
0x1bf: {  	s4 =	sshll.u32 s4, $0x6;
	s10 =	rddreg [dreg:$0x9]  }
0x1c0: {  	s8 =	rddreg [dreg:$0x14];
	s4 =	sor.u32 $0x1C0D, s4;
	s6 =	sshrl.u32 s10, $0x3  }
0x1c1: {  	[hbm:s8], [sflag:s4] =	dma.local [spmem:s6], $0x2800  }
0x1c2: {  	_ =	swait.ge [sflag:s28], $0x2800  }
0x1c3: {  	[sflag:s28] =	ssyncset.done $0x0;
	s8 =	rddreg [dreg:$0xa]  }
0x1c4: {  	s31 =	rddreg [dreg:$0x15];
	[sflag:s28] =	ssyncadd.s32 $0xFFFFD800;
	s6 =	sshrl.u32 s8, $0x3  }
0x1c5: {  	[hbm:s31], [sflag:s4] =	dma.local [spmem:s6], $0x280  }
0x1c6: {  	_ =	swait.ge [sflag:s28], $0x280  }
0x1c7: {  	s8 =	rddreg [dreg:$0x5]  }
0x1c8: {  	s31 =	rddreg [dreg:$0x16];
	s4 =	sadd.s32 $0x1, s8  }
0x1c9: {  	p0 =	sne.s32 s4, s31  }
.Ltmp7:
0x1ca: {  	_ = 	snop;
	(pc) =	sbr.rel @p0 .LBB2_1-.Ltmp7, $3  }
0x1cb: {  	_ =	sdelay $0x1  }
0x1cc: {  	[sflag:s28] =	ssyncset.done $0x0  }
0x1cd: {  	[sflag:s28] =	ssyncadd.s32 $0xFFFFFD80;
	[dreg:$0x5] =	wrdreg s4  }
0x1ce: {  	_ =	sfence.sel $0x180000  }
0x1cf: {  	[bflag:$0x0] =	sbarrier.arrive $0xFFFF  }
0x1d0: {  	_ =	strace $0x90000047  }
0x1d1: {  	s0 =	stileid.u32;
	[bflag:$0x2] =	sbarrier.arrive $0xFFFF  }
0x1d2: {  	p0 =	sne.s32 s0, $0x0;
	s0 =	rddreg [dreg:$0x4]  }
0x1d3: {  	s0 =	sadd.s32 @!p0 $0x100000, s0  }
0x1d4: {  	[sflag:s0] =	ssyncadd.tile.s32 @!p0 $0x1;
	_ =	shalt  }
.Lfunc_end2:
_tile_overlayer_lowered:
.L_overlay_start_2:
0x1d5: {  	(tag) =	ssettag $0x2  }
0x1d6: {  	s0 =	rddreg [dreg:$0x0];
	s2 =	stileid.u32  }
0x1d7: {  	s1 =	rddreg [dreg:$0x1];
	p0 =	sne.s32 s2, $0x0  }
0x1d8: {  	s3 =	rddreg [dreg:$0x2];
	[bflag:$0x3] =	sbarrier.arrive $0xFFFF;
	s2 =	simm.s32 @!p0 $0x1C0D  }
0x1d9: {  	[timem:s3], [sflag:s2] =	dma.local @!p0 [hbm:s0], s1  }
0x1da: {  	s0 =	simm.s32 @!p0 $0xD  }
0x1db: {  	_ =	swait.ge @!p0 [sflag:s0], s1  }
0x1dc: {  	s1 =	ssub.s32 @!p0 $0x0, s1;
	[sflag:s0] =	ssyncset.done @!p0 $0x0  }
0x1dd: {  	[sflag:s0] =	ssyncadd.s32 @!p0 s1  }
0x1de: {  	[bflag:$0x3] =	sbarrier.arrive $0xFFFF  }
0x1df: {  	_ =	shalt  }

</sc_bundles>
